<compile_context>
chip_gen: v7x
topology: tpu7x:2x2x1
jax: 0.10.2.dev20260603
libtpu: 0.0.44.dev20260713+nightly
codegen_flags: <defaults>
</compile_context>

<pallas_src>
import functools

import jax
import jax.numpy as jnp
from jax import lax
from jax.experimental import pallas as pl
from jax.experimental.pallas import tpu as pltpu
from jax.experimental.pallas import tpu_sc as plsc

N = 10000
E = 320000
D = 128
B = 64

NC = 2
NS = 16
NW = NC * NS
EPT = E // NW
CH = 80
NCHUNK = EPT // CH
RPT = 624
RPT_LAST = N - 15 * RPT


def _seg_sum_sc(out_nd, src3, dst3, zblk):
    mesh = plsc.VectorSubcoreMesh(core_axis_name="c", subcore_axis_name="s")

    @functools.partial(
        pl.kernel,
        out_type=[
            jax.ShapeDtypeStruct((N, D), jnp.float32),
            jax.ShapeDtypeStruct((N, D), jnp.float32),
        ],
        mesh=mesh,
        scratch_types=[
            pltpu.VMEM((NCHUNK, CH), jnp.int32),
            pltpu.VMEM((NCHUNK, CH), jnp.int32),
            pltpu.VMEM((CH, D), jnp.float32),
            pltpu.VMEM_SHARED((N, D), jnp.float32),
        ],
    )
    def k(out_hbm, src_hbm, dst_hbm, zblk_hbm, p0_hbm, p1_hbm,
          sidx, didx, rows, acc):
        c = lax.axis_index("c")
        s = lax.axis_index("s")
        wid = c * NS + s

        zbase = pl.multiple_of(s * RPT, 8)

        @pl.when(s < NS - 1)
        def _():
            pltpu.sync_copy(zblk_hbm.at[pl.ds(0, RPT)],
                            acc.at[pl.ds(zbase, RPT)])

        @pl.when(s == NS - 1)
        def _():
            pltpu.sync_copy(zblk_hbm,
                            acc.at[pl.ds(15 * RPT, RPT_LAST)])

        plsc.subcore_barrier()

        pltpu.sync_copy(src_hbm.at[wid], sidx)
        pltpu.sync_copy(dst_hbm.at[wid], didx)

        @pl.loop(0, NCHUNK)
        def _(j):
            pltpu.sync_copy(out_hbm.at[sidx.at[j]], rows)
            pltpu.sync_copy(rows, acc.at[didx.at[j]], add=True)

        plsc.subcore_barrier()

        wbase = pl.multiple_of(s * RPT, 8)

        @pl.when((c == 0) & (s < NS - 1))
        def _():
            pltpu.sync_copy(acc.at[pl.ds(wbase, RPT)],
                            p0_hbm.at[pl.ds(wbase, RPT)])

        @pl.when((c == 0) & (s == NS - 1))
        def _():
            pltpu.sync_copy(acc.at[pl.ds(15 * RPT, RPT_LAST)],
                            p0_hbm.at[pl.ds(15 * RPT, RPT_LAST)])

        @pl.when((c == 1) & (s < NS - 1))
        def _():
            pltpu.sync_copy(acc.at[pl.ds(wbase, RPT)],
                            p1_hbm.at[pl.ds(wbase, RPT)])

        @pl.when((c == 1) & (s == NS - 1))
        def _():
            pltpu.sync_copy(acc.at[pl.ds(15 * RPT, RPT_LAST)],
                            p1_hbm.at[pl.ds(15 * RPT, RPT_LAST)])

    return k(out_nd, src3, dst3, zblk)


_RB = 1000


def _lin0_tc(x, w0t, b0r):
    def body(x_ref, w_ref, b_ref, o_ref):
        o_ref[...] = jnp.maximum(
            jnp.dot(x_ref[...], w_ref[...], preferred_element_type=jnp.float32)
            + b_ref[...], 0.0)

    return pl.pallas_call(
        body,
        grid=(N // _RB,),
        in_specs=[
            pl.BlockSpec((_RB, D), lambda i: (i, 0)),
            pl.BlockSpec((D, D), lambda i: (0, 0)),
            pl.BlockSpec((1, D), lambda i: (0, 0)),
        ],
        out_specs=pl.BlockSpec((_RB, D), lambda i: (i, 0)),
        out_shape=jax.ShapeDtypeStruct((N, D), jnp.float32),
        compiler_params=pltpu.CompilerParams(
            dimension_semantics=("parallel",)),
    )(x, w0t, b0r)


def _gin_layer_tc(out, p0, p1, w1t, c1r, w2t, c2r, wiht, bihr, whht, bhhr):
    def body(o_ref, p0_ref, p1_ref, w1, c1_, w2, c2_, wih, bih_, whh, bhh_,
             newh_ref):
        hh = o_ref[...]
        z = hh + p0_ref[...] + p1_ref[...]
        t = jnp.maximum(
            jnp.dot(z, w1[...], preferred_element_type=jnp.float32) + c1_[...],
            0.0)
        m = jnp.maximum(
            jnp.dot(t, w2[...], preferred_element_type=jnp.float32) + c2_[...],
            0.0)
        gi = jnp.dot(m, wih[...], preferred_element_type=jnp.float32) + bih_[...]
        gh = jnp.dot(hh, whh[...], preferred_element_type=jnp.float32) + bhh_[...]
        r = jax.nn.sigmoid(gi[:, :D] + gh[:, :D])
        zz = jax.nn.sigmoid(gi[:, D:2 * D] + gh[:, D:2 * D])
        n = jnp.tanh(gi[:, 2 * D:] + r * gh[:, 2 * D:])
        newh_ref[...] = (1.0 - zz) * n + zz * hh

    full = lambda shape: pl.BlockSpec(shape, lambda i: (0, 0))
    return pl.pallas_call(
        body,
        grid=(N // _RB,),
        in_specs=[
            pl.BlockSpec((_RB, D), lambda i: (i, 0)),
            pl.BlockSpec((_RB, D), lambda i: (i, 0)),
            pl.BlockSpec((_RB, D), lambda i: (i, 0)),
            full((D, D)), full((1, D)),
            full((D, D)), full((1, D)),
            full((D, 3 * D)), full((1, 3 * D)),
            full((D, 3 * D)), full((1, 3 * D)),
        ],
        out_specs=pl.BlockSpec((_RB, D), lambda i: (i, 0)),
        out_shape=jax.ShapeDtypeStruct((N, D), jnp.float32),
        compiler_params=pltpu.CompilerParams(
            dimension_semantics=("parallel",)),
    )(out, p0, p1, w1t, c1r, w2t, c2r, wiht, bihr, whht, bhhr)


def _set2set_tc(out, batch_row, wiht, whht, bihr, bhhr):
    def body(o_ref, b_ref, wih, whh, bih, bhh, q_ref):
        ot = o_ref[...]
        br = b_ref[...]
        ids = lax.broadcasted_iota(jnp.int32, (B, N), 0)
        maskb = ids == br
        qh = jnp.zeros((B, D), jnp.float32)
        qc = jnp.zeros((B, D), jnp.float32)
        q_star = jnp.zeros((B, 2 * D), jnp.float32)
        for _ in range(3):
            gates = (
                jnp.dot(q_star, wih[...], preferred_element_type=jnp.float32)
                + bih[...]
                + jnp.dot(qh, whh[...], preferred_element_type=jnp.float32)
                + bhh[...])
            ii = jax.nn.sigmoid(gates[:, :D])
            ff = jax.nn.sigmoid(gates[:, D:2 * D])
            gg = jnp.tanh(gates[:, 2 * D:3 * D])
            oo = jax.nn.sigmoid(gates[:, 3 * D:])
            qc = ff * qc + ii * gg
            qh = oo * jnp.tanh(qc)
            eb = lax.dot_general(qh, ot, (((1,), (1,)), ((), ())),
                                 preferred_element_type=jnp.float32)
            emax = jnp.max(jnp.where(maskb, eb, -1e30), axis=1, keepdims=True)
            emax = jnp.where(emax > -1e29, emax, 0.0)
            ex = jnp.exp(jnp.where(maskb, eb - emax, -1e30))
            denom = jnp.sum(ex, axis=1, keepdims=True)
            a = ex / (denom + 1e-16)
            r = jnp.dot(a, ot, preferred_element_type=jnp.float32)
            q_star = jnp.concatenate([qh, r], axis=1)
        q_ref[...] = q_star

    return pl.pallas_call(
        body,
        out_shape=jax.ShapeDtypeStruct((B, 2 * D), jnp.float32),
    )(out, batch_row, wiht, whht, bihr, bhhr)


def kernel(x, edge_index, batch, W0, b0, gru_Wih, gru_Whh, gru_bih, gru_bhh,
           W1, c1, W2, c2, ls_Wih, ls_Whh, ls_bih, ls_bhh):
    src3 = edge_index[0].reshape(NW, NCHUNK, CH)
    dst3 = edge_index[1].reshape(NW, NCHUNK, CH)
    batch_row = batch.reshape(1, N)
    zblk = jnp.zeros((RPT_LAST, D), jnp.float32)

    out = _lin0_tc(x, W0.T, b0.reshape(1, D))
    for _ in range(3):
        p0, p1 = _seg_sum_sc(out, src3, dst3, zblk)
        out = _gin_layer_tc(out, p0, p1,
                            W1.T, c1.reshape(1, D), W2.T, c2.reshape(1, D),
                            gru_Wih.T, gru_bih.reshape(1, 3 * D),
                            gru_Whh.T, gru_bhh.reshape(1, 3 * D))
    q_star = _set2set_tc(out, batch_row,
                         ls_Wih.T, ls_Whh.T,
                         ls_bih.reshape(1, 4 * D), ls_bhh.reshape(1, 4 * D))
    return (q_star, out)

# --- scband reference (transcript-rebuilt; emitter-appended) ---
"""Pipeline reference for scband-ginencoder2-17205638988407 (READ-ONLY COPY).

The authoritative reference and input builder live on the scoring server;
editing this copy changes nothing except your own understanding.
"""

import jax, jax.numpy as jnp
import numpy as np

N = 10000
E = 320000
D = 128
B = 64


def setup_inputs(seed: int = 0):
    key = jax.random.key(seed)
    ks = jax.random.split(key, 20)

    def p(k, shape):
        return jax.random.normal(k, shape, dtype=jnp.float32) * 0.05

    inp = {}
    inp["x"] = jax.random.normal(ks[0], (N, D), dtype=jnp.float32)
    inp["edge_index"] = jax.random.randint(ks[1], (2, E), 0, N, dtype=jnp.int32)
    inp["batch"] = jnp.sort(jax.random.randint(ks[2], (N,), 0, B, dtype=jnp.int32))
    inp["W0"] = p(ks[3], (D, D)); inp["b0"] = p(ks[4], (D,))
    inp["gru_Wih"] = p(ks[5], (3 * D, D)); inp["gru_Whh"] = p(ks[6], (3 * D, D))
    inp["gru_bih"] = p(ks[7], (3 * D,)); inp["gru_bhh"] = p(ks[8], (3 * D,))
    inp["W1"] = p(ks[9], (D, D)); inp["c1"] = p(ks[10], (D,))
    inp["W2"] = p(ks[11], (D, D)); inp["c2"] = p(ks[12], (D,))
    inp["ls_Wih"] = p(ks[13], (4 * D, 2 * D)); inp["ls_Whh"] = p(ks[14], (4 * D, D))
    inp["ls_bih"] = p(ks[15], (4 * D,)); inp["ls_bhh"] = p(ks[16], (4 * D,))
    return inp


def _gru_step(x, h, Wih, Whh, bih, bhh):
    gi = x @ Wih.T + bih
    gh = h @ Whh.T + bhh
    i_r, i_z, i_n = jnp.split(gi, 3, axis=-1)
    h_r, h_z, h_n = jnp.split(gh, 3, axis=-1)
    r = jax.nn.sigmoid(i_r + h_r)
    z = jax.nn.sigmoid(i_z + h_z)
    n = jnp.tanh(i_n + r * h_n)
    return (1.0 - z) * n + z * h


def _lstm_step(x, h, c, Wih, Whh, bih, bhh):
    gates = x @ Wih.T + bih + h @ Whh.T + bhh
    i, f, g, o = jnp.split(gates, 4, axis=-1)
    i = jax.nn.sigmoid(i)
    f = jax.nn.sigmoid(f)
    g = jnp.tanh(g)
    o = jax.nn.sigmoid(o)
    c = f * c + i * g
    h = o * jnp.tanh(c)
    return h, c


def reference(x, edge_index, batch, W0, b0, gru_Wih, gru_Whh, gru_bih, gru_bhh, W1, c1, W2, c2, ls_Wih, ls_Whh, ls_bih, ls_bhh):
    src = edge_index[0]
    dst = edge_index[1]
    # lin0 + relu
    out = jax.nn.relu(x @ W0.T + b0)
    h = out  # GRU hidden state (seq dim of 1 squeezed away)
    for _ in range(3):
        # GINConv (eps=0, shared weights across layers): nn(x + sum_neighbors x_j)
        aggr = jax.ops.segment_sum(out[src], dst, num_segments=N)
        z = out + aggr
        m = jax.nn.relu(z @ W1.T + c1) @ W2.T + c2
        m = jax.nn.relu(m)
        h = _gru_step(m, h, gru_Wih, gru_Whh, gru_bih, gru_bhh)
        out = h
    # Set2Set with processing_steps=3 (LSTM input 2*D, hidden D)
    qh = jnp.zeros((B, D), dtype=x.dtype)
    qc = jnp.zeros((B, D), dtype=x.dtype)
    q_star = jnp.zeros((B, 2 * D), dtype=x.dtype)
    for _ in range(3):
        qh, qc = _lstm_step(q_star, qh, qc, ls_Wih, ls_Whh, ls_bih, ls_bhh)
        e = jnp.sum(out * qh[batch], axis=-1)
        emax = jax.ops.segment_max(e, batch, num_segments=B)
        emax = jnp.where(jnp.isfinite(emax), emax, 0.0)
        ex = jnp.exp(e - emax[batch])
        denom = jax.ops.segment_sum(ex, batch, num_segments=B)
        a = ex / (denom[batch] + 1e-16)
        r = jax.ops.segment_sum(a[:, None] * out, batch, num_segments=B)
        q_star = jnp.concatenate([qh, r], axis=-1)
    return (q_star, out)

if __name__ == "__main__":
    import jax
    _d = setup_inputs()
    print(jax.jit(kernel)(*tuple(_d.values())))

</pallas_src>

<mosaic_0001>
#map = affine_map<(d0, d1) -> (0, 0)>
#map1 = affine_map<(d0, d1) -> (0, 0, 0)>
module attributes {stable_mosaic.version = 14 : i64} {
  func.func @k(%arg0: i32, %arg1: i32, %arg2: memref<10000x128xf32, #tpu.memory_space<hbm>>, %arg3: memref<32x125x80xi32, #tpu.memory_space<hbm>>, %arg4: memref<32x125x80xi32, #tpu.memory_space<hbm>>, %arg5: memref<640x128xf32, #tpu.memory_space<hbm>>, %arg6: memref<10000x128xf32, #tpu.memory_space<hbm>>, %arg7: memref<10000x128xf32, #tpu.memory_space<hbm>>, %arg8: memref<125x80xi32, #tpu.memory_space<vmem>>, %arg9: memref<125x80xi32, #tpu.memory_space<vmem>>, %arg10: memref<80x128xf32, #tpu.memory_space<vmem>>, %arg11: memref<10000x128xf32, #tpu.memory_space<vmem_shared>>) attributes {dimension_semantics = [#tpu.dimension_semantics<core_parallel>, #tpu.dimension_semantics<subcore_parallel>], iteration_bounds = array<i64: 2, 16>, scalar_prefetch = 0 : i64, scratch_operands = 4 : i64, tpu.core_type = #tpu.core_type<sc_vector_subcore>, window_params = [{transform_indices = #map}, {transform_indices = #map1}, {transform_indices = #map1}, {transform_indices = #map}, {transform_indices = #map}, {transform_indices = #map}]} {
    %mul3A = arith.constant 16 : i32
    %mul3A_0 = arith.muli %arg0, %mul3A : i32
    %add3A = arith.addi %mul3A_0, %arg1 : i32
    %mul3A_1 = arith.constant 624 : i32
    %mul3A_2 = arith.muli %arg1, %mul3A_1 : i32
    %multiple_of3A = tpu.assume_multiple %mul3A_2, 8 : i32
    %lt3A = arith.constant 15 : i32
    %lt3A_3 = arith.cmpi slt, %arg1, %lt3A : i32
    %convert_element_type3A = arith.extui %lt3A_3 : i1 to i32
    %cond3A = arith.constant 0 : i32
    %cond3A_4 = arith.cmpi ne, %convert_element_type3A, %cond3A : i32
    scf.if %cond3A_4 {
      "tpu.region"() ({
        %run_scoped3A = tpu.sem_alloc : memref<!tpu.dma_semaphore, #tpu.memory_space<semaphore_mem>>
        %dma_start3A = arith.constant 0 : i32
        %dma_start3A_48 = tpu.memref_slice %arg11[%multiple_of3A, %dma_start3A] : memref<10000x128xf32, #tpu.memory_space<vmem_shared>> -> memref<624x128xf32, #tpu.memory_space<vmem_shared>>
        %dma_start3A_49 = arith.constant 0 : i32
        %dma_start3A_50 = arith.constant 0 : i32
        %dma_start3A_51 = tpu.memref_slice %arg5[%dma_start3A_49, %dma_start3A_50] : memref<640x128xf32, #tpu.memory_space<hbm>> -> memref<624x128xf32, #tpu.memory_space<hbm>>
        tpu.enqueue_dma source(%dma_start3A_51 : memref<624x128xf32, #tpu.memory_space<hbm>>) target(%dma_start3A_48 : memref<624x128xf32, #tpu.memory_space<vmem_shared>>) target_semaphore(%run_scoped3A : memref<!tpu.dma_semaphore, #tpu.memory_space<semaphore_mem>>)
        %dma_wait3A = arith.constant 0 : i32
        %dma_wait3A_52 = tpu.memref_slice %arg11[%multiple_of3A, %dma_wait3A] : memref<10000x128xf32, #tpu.memory_space<vmem_shared>> -> memref<624x128xf32, #tpu.memory_space<vmem_shared>>
        %dma_wait3A_53 = arith.constant 0 : i32
        %dma_wait3A_54 = arith.constant 0 : i32
        %dma_wait3A_55 = tpu.memref_slice %arg5[%dma_wait3A_53, %dma_wait3A_54] : memref<640x128xf32, #tpu.memory_space<hbm>> -> memref<624x128xf32, #tpu.memory_space<hbm>>
        tpu.wait_dma2 semaphore(%run_scoped3A : memref<!tpu.dma_semaphore, #tpu.memory_space<semaphore_mem>>) src(%dma_wait3A_55 : memref<624x128xf32, #tpu.memory_space<hbm>>) dst(%dma_wait3A_52 : memref<624x128xf32, #tpu.memory_space<vmem_shared>>)
        tpu.yield
      }) : () -> ()
    } else {
    }
    %eq3A = arith.constant 15 : i32
    %eq3A_5 = arith.cmpi eq, %arg1, %eq3A : i32
    %convert_element_type3A_6 = arith.extui %eq3A_5 : i1 to i32
    %cond3A_7 = arith.constant 0 : i32
    %cond3A_8 = arith.cmpi ne, %convert_element_type3A_6, %cond3A_7 : i32
    scf.if %cond3A_8 {
      "tpu.region"() ({
        %run_scoped3A = tpu.sem_alloc : memref<!tpu.dma_semaphore, #tpu.memory_space<semaphore_mem>>
        %dma_start3A = arith.constant 9360 : i32
        %dma_start3A_48 = arith.constant 0 : i32
        %dma_start3A_49 = tpu.memref_slice %arg11[%dma_start3A, %dma_start3A_48] : memref<10000x128xf32, #tpu.memory_space<vmem_shared>> -> memref<640x128xf32, #tpu.memory_space<vmem_shared>>
        tpu.enqueue_dma source(%arg5 : memref<640x128xf32, #tpu.memory_space<hbm>>) target(%dma_start3A_49 : memref<640x128xf32, #tpu.memory_space<vmem_shared>>) target_semaphore(%run_scoped3A : memref<!tpu.dma_semaphore, #tpu.memory_space<semaphore_mem>>)
        %dma_wait3A = arith.constant 9360 : i32
        %dma_wait3A_50 = arith.constant 0 : i32
        %dma_wait3A_51 = tpu.memref_slice %arg11[%dma_wait3A, %dma_wait3A_50] : memref<10000x128xf32, #tpu.memory_space<vmem_shared>> -> memref<640x128xf32, #tpu.memory_space<vmem_shared>>
        tpu.wait_dma2 semaphore(%run_scoped3A : memref<!tpu.dma_semaphore, #tpu.memory_space<semaphore_mem>>) src(%arg5 : memref<640x128xf32, #tpu.memory_space<hbm>>) dst(%dma_wait3A_51 : memref<640x128xf32, #tpu.memory_space<vmem_shared>>)
        tpu.yield
      }) : () -> ()
    } else {
    }
    %barrier3A = arith.constant 0 : index
    tpu.barrier barrier_id(%barrier3A)
    "tpu.region"() ({
      %run_scoped3A = tpu.sem_alloc : memref<!tpu.dma_semaphore, #tpu.memory_space<semaphore_mem>>
      %dma_start3A = arith.constant 0 : i32
      %dma_start3A_48 = arith.constant 0 : i32
      %dma_start3A_49 = tpu.memref_slice %arg3[%add3A, %dma_start3A, %dma_start3A_48] : memref<32x125x80xi32, #tpu.memory_space<hbm>> -> memref<1x125x80xi32, #tpu.memory_space<hbm>>
      %dma_start3A_50 = tpu.memref_squeeze %dma_start3A_49 : memref<1x125x80xi32, #tpu.memory_space<hbm>> -> memref<125x80xi32, #tpu.memory_space<hbm>>
      %dma_start3A_51 = arith.constant 0 : i32
      %dma_start3A_52 = arith.constant 0 : i32
      %dma_start3A_53 = tpu.memref_slice %arg3[%add3A, %dma_start3A_51, %dma_start3A_52] : memref<32x125x80xi32, #tpu.memory_space<hbm>> -> memref<1x125x80xi32, #tpu.memory_space<hbm>>
      %dma_start3A_54 = tpu.memref_squeeze %dma_start3A_53 : memref<1x125x80xi32, #tpu.memory_space<hbm>> -> memref<125x80xi32, #tpu.memory_space<hbm>>
      tpu.enqueue_dma source(%dma_start3A_54 : memref<125x80xi32, #tpu.memory_space<hbm>>) target(%arg8 : memref<125x80xi32, #tpu.memory_space<vmem>>) target_semaphore(%run_scoped3A : memref<!tpu.dma_semaphore, #tpu.memory_space<semaphore_mem>>)
      %dma_wait3A = arith.constant 0 : i32
      %dma_wait3A_55 = arith.constant 0 : i32
      %dma_wait3A_56 = tpu.memref_slice %arg3[%add3A, %dma_wait3A, %dma_wait3A_55] : memref<32x125x80xi32, #tpu.memory_space<hbm>> -> memref<1x125x80xi32, #tpu.memory_space<hbm>>
      %dma_wait3A_57 = tpu.memref_squeeze %dma_wait3A_56 : memref<1x125x80xi32, #tpu.memory_space<hbm>> -> memref<125x80xi32, #tpu.memory_space<hbm>>
      %dma_wait3A_58 = arith.constant 0 : i32
      %dma_wait3A_59 = arith.constant 0 : i32
      %dma_wait3A_60 = tpu.memref_slice %arg3[%add3A, %dma_wait3A_58, %dma_wait3A_59] : memref<32x125x80xi32, #tpu.memory_space<hbm>> -> memref<1x125x80xi32, #tpu.memory_space<hbm>>
      %dma_wait3A_61 = tpu.memref_squeeze %dma_wait3A_60 : memref<1x125x80xi32, #tpu.memory_space<hbm>> -> memref<125x80xi32, #tpu.memory_space<hbm>>
      tpu.wait_dma2 semaphore(%run_scoped3A : memref<!tpu.dma_semaphore, #tpu.memory_space<semaphore_mem>>) src(%dma_wait3A_61 : memref<125x80xi32, #tpu.memory_space<hbm>>) dst(%arg8 : memref<125x80xi32, #tpu.memory_space<vmem>>)
      tpu.yield
    }) : () -> ()
    "tpu.region"() ({
      %run_scoped3A = tpu.sem_alloc : memref<!tpu.dma_semaphore, #tpu.memory_space<semaphore_mem>>
      %dma_start3A = arith.constant 0 : i32
      %dma_start3A_48 = arith.constant 0 : i32
      %dma_start3A_49 = tpu.memref_slice %arg4[%add3A, %dma_start3A, %dma_start3A_48] : memref<32x125x80xi32, #tpu.memory_space<hbm>> -> memref<1x125x80xi32, #tpu.memory_space<hbm>>
      %dma_start3A_50 = tpu.memref_squeeze %dma_start3A_49 : memref<1x125x80xi32, #tpu.memory_space<hbm>> -> memref<125x80xi32, #tpu.memory_space<hbm>>
      %dma_start3A_51 = arith.constant 0 : i32
      %dma_start3A_52 = arith.constant 0 : i32
      %dma_start3A_53 = tpu.memref_slice %arg4[%add3A, %dma_start3A_51, %dma_start3A_52] : memref<32x125x80xi32, #tpu.memory_space<hbm>> -> memref<1x125x80xi32, #tpu.memory_space<hbm>>
      %dma_start3A_54 = tpu.memref_squeeze %dma_start3A_53 : memref<1x125x80xi32, #tpu.memory_space<hbm>> -> memref<125x80xi32, #tpu.memory_space<hbm>>
      tpu.enqueue_dma source(%dma_start3A_54 : memref<125x80xi32, #tpu.memory_space<hbm>>) target(%arg9 : memref<125x80xi32, #tpu.memory_space<vmem>>) target_semaphore(%run_scoped3A : memref<!tpu.dma_semaphore, #tpu.memory_space<semaphore_mem>>)
      %dma_wait3A = arith.constant 0 : i32
      %dma_wait3A_55 = arith.constant 0 : i32
      %dma_wait3A_56 = tpu.memref_slice %arg4[%add3A, %dma_wait3A, %dma_wait3A_55] : memref<32x125x80xi32, #tpu.memory_space<hbm>> -> memref<1x125x80xi32, #tpu.memory_space<hbm>>
      %dma_wait3A_57 = tpu.memref_squeeze %dma_wait3A_56 : memref<1x125x80xi32, #tpu.memory_space<hbm>> -> memref<125x80xi32, #tpu.memory_space<hbm>>
      %dma_wait3A_58 = arith.constant 0 : i32
      %dma_wait3A_59 = arith.constant 0 : i32
      %dma_wait3A_60 = tpu.memref_slice %arg4[%add3A, %dma_wait3A_58, %dma_wait3A_59] : memref<32x125x80xi32, #tpu.memory_space<hbm>> -> memref<1x125x80xi32, #tpu.memory_space<hbm>>
      %dma_wait3A_61 = tpu.memref_squeeze %dma_wait3A_60 : memref<1x125x80xi32, #tpu.memory_space<hbm>> -> memref<125x80xi32, #tpu.memory_space<hbm>>
      tpu.wait_dma2 semaphore(%run_scoped3A : memref<!tpu.dma_semaphore, #tpu.memory_space<semaphore_mem>>) src(%dma_wait3A_61 : memref<125x80xi32, #tpu.memory_space<hbm>>) dst(%arg9 : memref<125x80xi32, #tpu.memory_space<vmem>>)
      tpu.yield
    }) : () -> ()
    %scan3A = arith.constant 0 : i32
    %scan3A_9 = arith.constant 125 : i32
    %scan3A_10 = arith.addi %scan3A, %scan3A_9 : i32
    %scan3A_11 = arith.constant 1 : i32
    scf.for %scan3A_48 = %scan3A to %scan3A_10 step %scan3A_11  : i32 {
      %mul3A_49 = arith.constant 1 : i32
      %mul3A_50 = arith.muli %scan3A_48, %mul3A_49 : i32
      %add3A_51 = arith.constant 0 : i32
      %add3A_52 = arith.addi %add3A_51, %mul3A_50 : i32
      "tpu.region"() ({
        %run_scoped3A = tpu.sem_alloc : memref<!tpu.dma_semaphore, #tpu.memory_space<semaphore_mem>>
        %dma_start3A = arith.constant 0 : i32
        %dma_start3A_53 = tpu.memref_slice %arg8[%add3A_52, %dma_start3A] : memref<125x80xi32, #tpu.memory_space<vmem>> -> memref<1x80xi32, #tpu.memory_space<vmem>>
        %dma_start3A_54 = tpu.memref_squeeze %dma_start3A_53 : memref<1x80xi32, #tpu.memory_space<vmem>> -> memref<80xi32, #tpu.memory_space<vmem>>
        %dma_start3A_55 = arith.constant 0 : i32
        %dma_start3A_56 = arith.constant 0 : i32
        %dma_start3A_57 = tpu.memref_slice %arg2[%dma_start3A_55, %dma_start3A_56] : memref<10000x128xf32, #tpu.memory_space<hbm>> -> memref<10000x128xf32, #tpu.memory_space<hbm>>
        tpu.enqueue_indirect_dma source(%dma_start3A_57 : memref<10000x128xf32, #tpu.memory_space<hbm>>) target(%arg10 : memref<80x128xf32, #tpu.memory_space<vmem>>) offsets(%dma_start3A_54 : memref<80xi32, #tpu.memory_space<vmem>>) semaphore(%run_scoped3A : memref<!tpu.dma_semaphore, #tpu.memory_space<semaphore_mem>>)
        %dma_wait3A = arith.constant 0 : i32
        %dma_wait3A_58 = tpu.memref_slice %arg8[%add3A_52, %dma_wait3A] : memref<125x80xi32, #tpu.memory_space<vmem>> -> memref<1x80xi32, #tpu.memory_space<vmem>>
        %dma_wait3A_59 = tpu.memref_squeeze %dma_wait3A_58 : memref<1x80xi32, #tpu.memory_space<vmem>> -> memref<80xi32, #tpu.memory_space<vmem>>
        %dma_wait3A_60 = arith.constant 0 : i32
        %dma_wait3A_61 = arith.constant 0 : i32
        %dma_wait3A_62 = tpu.memref_slice %arg2[%dma_wait3A_60, %dma_wait3A_61] : memref<10000x128xf32, #tpu.memory_space<hbm>> -> memref<10000x128xf32, #tpu.memory_space<hbm>>
        tpu.wait_indirect_dma semaphore(%run_scoped3A : memref<!tpu.dma_semaphore, #tpu.memory_space<semaphore_mem>>) src(%dma_wait3A_62 : memref<10000x128xf32, #tpu.memory_space<hbm>>) dst(%arg10 : memref<80x128xf32, #tpu.memory_space<vmem>>)
        tpu.yield
      }) : () -> ()
      "tpu.region"() ({
        %run_scoped3A = tpu.sem_alloc : memref<!tpu.dma_semaphore, #tpu.memory_space<semaphore_mem>>
        %dma_start3A = arith.constant 0 : i32
        %dma_start3A_53 = tpu.memref_slice %arg9[%add3A_52, %dma_start3A] : memref<125x80xi32, #tpu.memory_space<vmem>> -> memref<1x80xi32, #tpu.memory_space<vmem>>
        %dma_start3A_54 = tpu.memref_squeeze %dma_start3A_53 : memref<1x80xi32, #tpu.memory_space<vmem>> -> memref<80xi32, #tpu.memory_space<vmem>>
        %dma_start3A_55 = arith.constant 0 : i32
        %dma_start3A_56 = arith.constant 0 : i32
        %dma_start3A_57 = tpu.memref_slice %arg11[%dma_start3A_55, %dma_start3A_56] : memref<10000x128xf32, #tpu.memory_space<vmem_shared>> -> memref<10000x128xf32, #tpu.memory_space<vmem_shared>>
        tpu.enqueue_indirect_dma source(%arg10 : memref<80x128xf32, #tpu.memory_space<vmem>>) target(%dma_start3A_57 : memref<10000x128xf32, #tpu.memory_space<vmem_shared>>) offsets(%dma_start3A_54 : memref<80xi32, #tpu.memory_space<vmem>>) semaphore(%run_scoped3A : memref<!tpu.dma_semaphore, #tpu.memory_space<semaphore_mem>>) {add = true}
        %dma_wait3A = arith.constant 0 : i32
        %dma_wait3A_58 = tpu.memref_slice %arg9[%add3A_52, %dma_wait3A] : memref<125x80xi32, #tpu.memory_space<vmem>> -> memref<1x80xi32, #tpu.memory_space<vmem>>
        %dma_wait3A_59 = tpu.memref_squeeze %dma_wait3A_58 : memref<1x80xi32, #tpu.memory_space<vmem>> -> memref<80xi32, #tpu.memory_space<vmem>>
        %dma_wait3A_60 = arith.constant 0 : i32
        %dma_wait3A_61 = arith.constant 0 : i32
        %dma_wait3A_62 = tpu.memref_slice %arg11[%dma_wait3A_60, %dma_wait3A_61] : memref<10000x128xf32, #tpu.memory_space<vmem_shared>> -> memref<10000x128xf32, #tpu.memory_space<vmem_shared>>
        tpu.wait_indirect_dma semaphore(%run_scoped3A : memref<!tpu.dma_semaphore, #tpu.memory_space<semaphore_mem>>) src(%arg10 : memref<80x128xf32, #tpu.memory_space<vmem>>) dst(%dma_wait3A_62 : memref<10000x128xf32, #tpu.memory_space<vmem_shared>>)
        tpu.yield
      }) : () -> ()
    }
    %scan3A_12 = arith.constant 125 : i32
    %barrier3A_13 = arith.constant 0 : index
    tpu.barrier barrier_id(%barrier3A_13)
    %mul3A_14 = arith.constant 624 : i32
    %mul3A_15 = arith.muli %arg1, %mul3A_14 : i32
    %multiple_of3A_16 = tpu.assume_multiple %mul3A_15, 8 : i32
    %eq3A_17 = arith.constant 0 : i32
    %eq3A_18 = arith.cmpi eq, %arg0, %eq3A_17 : i32
    %lt3A_19 = arith.constant 15 : i32
    %lt3A_20 = arith.cmpi slt, %arg1, %lt3A_19 : i32
    %and3A = arith.andi %eq3A_18, %lt3A_20 : i1
    %convert_element_type3A_21 = arith.extui %and3A : i1 to i32
    %cond3A_22 = arith.constant 0 : i32
    %cond3A_23 = arith.cmpi ne, %convert_element_type3A_21, %cond3A_22 : i32
    scf.if %cond3A_23 {
      "tpu.region"() ({
        %run_scoped3A = tpu.sem_alloc : memref<!tpu.dma_semaphore, #tpu.memory_space<semaphore_mem>>
        %dma_start3A = arith.constant 0 : i32
        %dma_start3A_48 = tpu.memref_slice %arg6[%multiple_of3A_16, %dma_start3A] : memref<10000x128xf32, #tpu.memory_space<hbm>> -> memref<624x128xf32, #tpu.memory_space<hbm>>
        %dma_start3A_49 = arith.constant 0 : i32
        %dma_start3A_50 = tpu.memref_slice %arg11[%multiple_of3A_16, %dma_start3A_49] : memref<10000x128xf32, #tpu.memory_space<vmem_shared>> -> memref<624x128xf32, #tpu.memory_space<vmem_shared>>
        tpu.enqueue_dma source(%dma_start3A_50 : memref<624x128xf32, #tpu.memory_space<vmem_shared>>) target(%dma_start3A_48 : memref<624x128xf32, #tpu.memory_space<hbm>>) target_semaphore(%run_scoped3A : memref<!tpu.dma_semaphore, #tpu.memory_space<semaphore_mem>>)
        %dma_wait3A = arith.constant 0 : i32
        %dma_wait3A_51 = tpu.memref_slice %arg6[%multiple_of3A_16, %dma_wait3A] : memref<10000x128xf32, #tpu.memory_space<hbm>> -> memref<624x128xf32, #tpu.memory_space<hbm>>
        %dma_wait3A_52 = arith.constant 0 : i32
        %dma_wait3A_53 = tpu.memref_slice %arg11[%multiple_of3A_16, %dma_wait3A_52] : memref<10000x128xf32, #tpu.memory_space<vmem_shared>> -> memref<624x128xf32, #tpu.memory_space<vmem_shared>>
        tpu.wait_dma2 semaphore(%run_scoped3A : memref<!tpu.dma_semaphore, #tpu.memory_space<semaphore_mem>>) src(%dma_wait3A_53 : memref<624x128xf32, #tpu.memory_space<vmem_shared>>) dst(%dma_wait3A_51 : memref<624x128xf32, #tpu.memory_space<hbm>>)
        tpu.yield
      }) : () -> ()
    } else {
    }
    %eq3A_24 = arith.constant 0 : i32
    %eq3A_25 = arith.cmpi eq, %arg0, %eq3A_24 : i32
    %eq3A_26 = arith.constant 15 : i32
    %eq3A_27 = arith.cmpi eq, %arg1, %eq3A_26 : i32
    %and3A_28 = arith.andi %eq3A_25, %eq3A_27 : i1
    %convert_element_type3A_29 = arith.extui %and3A_28 : i1 to i32
    %cond3A_30 = arith.constant 0 : i32
    %cond3A_31 = arith.cmpi ne, %convert_element_type3A_29, %cond3A_30 : i32
    scf.if %cond3A_31 {
      "tpu.region"() ({
        %run_scoped3A = tpu.sem_alloc : memref<!tpu.dma_semaphore, #tpu.memory_space<semaphore_mem>>
        %dma_start3A = arith.constant 9360 : i32
        %dma_start3A_48 = arith.constant 0 : i32
        %dma_start3A_49 = tpu.memref_slice %arg6[%dma_start3A, %dma_start3A_48] : memref<10000x128xf32, #tpu.memory_space<hbm>> -> memref<640x128xf32, #tpu.memory_space<hbm>>
        %dma_start3A_50 = arith.constant 9360 : i32
        %dma_start3A_51 = arith.constant 0 : i32
        %dma_start3A_52 = tpu.memref_slice %arg11[%dma_start3A_50, %dma_start3A_51] : memref<10000x128xf32, #tpu.memory_space<vmem_shared>> -> memref<640x128xf32, #tpu.memory_space<vmem_shared>>
        tpu.enqueue_dma source(%dma_start3A_52 : memref<640x128xf32, #tpu.memory_space<vmem_shared>>) target(%dma_start3A_49 : memref<640x128xf32, #tpu.memory_space<hbm>>) target_semaphore(%run_scoped3A : memref<!tpu.dma_semaphore, #tpu.memory_space<semaphore_mem>>)
        %dma_wait3A = arith.constant 9360 : i32
        %dma_wait3A_53 = arith.constant 0 : i32
        %dma_wait3A_54 = tpu.memref_slice %arg6[%dma_wait3A, %dma_wait3A_53] : memref<10000x128xf32, #tpu.memory_space<hbm>> -> memref<640x128xf32, #tpu.memory_space<hbm>>
        %dma_wait3A_55 = arith.constant 9360 : i32
        %dma_wait3A_56 = arith.constant 0 : i32
        %dma_wait3A_57 = tpu.memref_slice %arg11[%dma_wait3A_55, %dma_wait3A_56] : memref<10000x128xf32, #tpu.memory_space<vmem_shared>> -> memref<640x128xf32, #tpu.memory_space<vmem_shared>>
        tpu.wait_dma2 semaphore(%run_scoped3A : memref<!tpu.dma_semaphore, #tpu.memory_space<semaphore_mem>>) src(%dma_wait3A_57 : memref<640x128xf32, #tpu.memory_space<vmem_shared>>) dst(%dma_wait3A_54 : memref<640x128xf32, #tpu.memory_space<hbm>>)
        tpu.yield
      }) : () -> ()
    } else {
    }
    %eq3A_32 = arith.constant 1 : i32
    %eq3A_33 = arith.cmpi eq, %arg0, %eq3A_32 : i32
    %lt3A_34 = arith.constant 15 : i32
    %lt3A_35 = arith.cmpi slt, %arg1, %lt3A_34 : i32
    %and3A_36 = arith.andi %eq3A_33, %lt3A_35 : i1
    %convert_element_type3A_37 = arith.extui %and3A_36 : i1 to i32
    %cond3A_38 = arith.constant 0 : i32
    %cond3A_39 = arith.cmpi ne, %convert_element_type3A_37, %cond3A_38 : i32
    scf.if %cond3A_39 {
      "tpu.region"() ({
        %run_scoped3A = tpu.sem_alloc : memref<!tpu.dma_semaphore, #tpu.memory_space<semaphore_mem>>
        %dma_start3A = arith.constant 0 : i32
        %dma_start3A_48 = tpu.memref_slice %arg7[%multiple_of3A_16, %dma_start3A] : memref<10000x128xf32, #tpu.memory_space<hbm>> -> memref<624x128xf32, #tpu.memory_space<hbm>>
        %dma_start3A_49 = arith.constant 0 : i32
        %dma_start3A_50 = tpu.memref_slice %arg11[%multiple_of3A_16, %dma_start3A_49] : memref<10000x128xf32, #tpu.memory_space<vmem_shared>> -> memref<624x128xf32, #tpu.memory_space<vmem_shared>>
        tpu.enqueue_dma source(%dma_start3A_50 : memref<624x128xf32, #tpu.memory_space<vmem_shared>>) target(%dma_start3A_48 : memref<624x128xf32, #tpu.memory_space<hbm>>) target_semaphore(%run_scoped3A : memref<!tpu.dma_semaphore, #tpu.memory_space<semaphore_mem>>)
        %dma_wait3A = arith.constant 0 : i32
        %dma_wait3A_51 = tpu.memref_slice %arg7[%multiple_of3A_16, %dma_wait3A] : memref<10000x128xf32, #tpu.memory_space<hbm>> -> memref<624x128xf32, #tpu.memory_space<hbm>>
        %dma_wait3A_52 = arith.constant 0 : i32
        %dma_wait3A_53 = tpu.memref_slice %arg11[%multiple_of3A_16, %dma_wait3A_52] : memref<10000x128xf32, #tpu.memory_space<vmem_shared>> -> memref<624x128xf32, #tpu.memory_space<vmem_shared>>
        tpu.wait_dma2 semaphore(%run_scoped3A : memref<!tpu.dma_semaphore, #tpu.memory_space<semaphore_mem>>) src(%dma_wait3A_53 : memref<624x128xf32, #tpu.memory_space<vmem_shared>>) dst(%dma_wait3A_51 : memref<624x128xf32, #tpu.memory_space<hbm>>)
        tpu.yield
      }) : () -> ()
    } else {
    }
    %eq3A_40 = arith.constant 1 : i32
    %eq3A_41 = arith.cmpi eq, %arg0, %eq3A_40 : i32
    %eq3A_42 = arith.constant 15 : i32
    %eq3A_43 = arith.cmpi eq, %arg1, %eq3A_42 : i32
    %and3A_44 = arith.andi %eq3A_41, %eq3A_43 : i1
    %convert_element_type3A_45 = arith.extui %and3A_44 : i1 to i32
    %cond3A_46 = arith.constant 0 : i32
    %cond3A_47 = arith.cmpi ne, %convert_element_type3A_45, %cond3A_46 : i32
    scf.if %cond3A_47 {
      "tpu.region"() ({
        %run_scoped3A = tpu.sem_alloc : memref<!tpu.dma_semaphore, #tpu.memory_space<semaphore_mem>>
        %dma_start3A = arith.constant 9360 : i32
        %dma_start3A_48 = arith.constant 0 : i32
        %dma_start3A_49 = tpu.memref_slice %arg7[%dma_start3A, %dma_start3A_48] : memref<10000x128xf32, #tpu.memory_space<hbm>> -> memref<640x128xf32, #tpu.memory_space<hbm>>
        %dma_start3A_50 = arith.constant 9360 : i32
        %dma_start3A_51 = arith.constant 0 : i32
        %dma_start3A_52 = tpu.memref_slice %arg11[%dma_start3A_50, %dma_start3A_51] : memref<10000x128xf32, #tpu.memory_space<vmem_shared>> -> memref<640x128xf32, #tpu.memory_space<vmem_shared>>
        tpu.enqueue_dma source(%dma_start3A_52 : memref<640x128xf32, #tpu.memory_space<vmem_shared>>) target(%dma_start3A_49 : memref<640x128xf32, #tpu.memory_space<hbm>>) target_semaphore(%run_scoped3A : memref<!tpu.dma_semaphore, #tpu.memory_space<semaphore_mem>>)
        %dma_wait3A = arith.constant 9360 : i32
        %dma_wait3A_53 = arith.constant 0 : i32
        %dma_wait3A_54 = tpu.memref_slice %arg7[%dma_wait3A, %dma_wait3A_53] : memref<10000x128xf32, #tpu.memory_space<hbm>> -> memref<640x128xf32, #tpu.memory_space<hbm>>
        %dma_wait3A_55 = arith.constant 9360 : i32
        %dma_wait3A_56 = arith.constant 0 : i32
        %dma_wait3A_57 = tpu.memref_slice %arg11[%dma_wait3A_55, %dma_wait3A_56] : memref<10000x128xf32, #tpu.memory_space<vmem_shared>> -> memref<640x128xf32, #tpu.memory_space<vmem_shared>>
        tpu.wait_dma2 semaphore(%run_scoped3A : memref<!tpu.dma_semaphore, #tpu.memory_space<semaphore_mem>>) src(%dma_wait3A_57 : memref<640x128xf32, #tpu.memory_space<vmem_shared>>) dst(%dma_wait3A_54 : memref<640x128xf32, #tpu.memory_space<hbm>>)
        tpu.yield
      }) : () -> ()
    } else {
    }
    return
  }
}

#map = affine_map<(d0, d1) -> (0, 0)>
#map1 = affine_map<(d0, d1) -> (0, 0, 0)>
module attributes {stable_mosaic.version = 14 : i64} {
  func.func @k(%arg0: i32, %arg1: i32, %arg2: memref<10000x128xf32, #tpu.memory_space<hbm>>, %arg3: memref<32x125x80xi32, #tpu.memory_space<hbm>>, %arg4: memref<32x125x80xi32, #tpu.memory_space<hbm>>, %arg5: memref<640x128xf32, #tpu.memory_space<hbm>>, %arg6: memref<10000x128xf32, #tpu.memory_space<hbm>>, %arg7: memref<10000x128xf32, #tpu.memory_space<hbm>>, %arg8: memref<125x80xi32, #tpu.memory_space<vmem>>, %arg9: memref<125x80xi32, #tpu.memory_space<vmem>>, %arg10: memref<80x128xf32, #tpu.memory_space<vmem>>, %arg11: memref<10000x128xf32, #tpu.memory_space<vmem_shared>>) attributes {dimension_semantics = [#tpu.dimension_semantics<core_parallel>, #tpu.dimension_semantics<subcore_parallel>], iteration_bounds = array<i64: 2, 16>, scalar_prefetch = 0 : i64, scratch_operands = 4 : i64, tpu.core_type = #tpu.core_type<sc_vector_subcore>, window_params = [{transform_indices = #map}, {transform_indices = #map1}, {transform_indices = #map1}, {transform_indices = #map}, {transform_indices = #map}, {transform_indices = #map}]} {
    %mul3A = arith.constant 16 : i32
    %mul3A_0 = arith.muli %arg0, %mul3A : i32
    %add3A = arith.addi %mul3A_0, %arg1 : i32
    %mul3A_1 = arith.constant 624 : i32
    %mul3A_2 = arith.muli %arg1, %mul3A_1 : i32
    %multiple_of3A = tpu.assume_multiple %mul3A_2, 8 : i32
    %lt3A = arith.constant 15 : i32
    %lt3A_3 = arith.cmpi slt, %arg1, %lt3A : i32
    %convert_element_type3A = arith.extui %lt3A_3 : i1 to i32
    %cond3A = arith.constant 0 : i32
    %cond3A_4 = arith.cmpi ne, %convert_element_type3A, %cond3A : i32
    scf.if %cond3A_4 {
      "tpu.region"() ({
        %run_scoped3A = tpu.sem_alloc : memref<!tpu.dma_semaphore, #tpu.memory_space<semaphore_mem>>
        %dma_start3A = arith.constant 0 : i32
        %dma_start3A_48 = tpu.memref_slice %arg11[%multiple_of3A, %dma_start3A] : memref<10000x128xf32, #tpu.memory_space<vmem_shared>> -> memref<624x128xf32, #tpu.memory_space<vmem_shared>>
        %dma_start3A_49 = arith.constant 0 : i32
        %dma_start3A_50 = arith.constant 0 : i32
        %dma_start3A_51 = tpu.memref_slice %arg5[%dma_start3A_49, %dma_start3A_50] : memref<640x128xf32, #tpu.memory_space<hbm>> -> memref<624x128xf32, #tpu.memory_space<hbm>>
        tpu.enqueue_dma source(%dma_start3A_51 : memref<624x128xf32, #tpu.memory_space<hbm>>) target(%dma_start3A_48 : memref<624x128xf32, #tpu.memory_space<vmem_shared>>) target_semaphore(%run_scoped3A : memref<!tpu.dma_semaphore, #tpu.memory_space<semaphore_mem>>)
        %dma_wait3A = arith.constant 0 : i32
        %dma_wait3A_52 = tpu.memref_slice %arg11[%multiple_of3A, %dma_wait3A] : memref<10000x128xf32, #tpu.memory_space<vmem_shared>> -> memref<624x128xf32, #tpu.memory_space<vmem_shared>>
        %dma_wait3A_53 = arith.constant 0 : i32
        %dma_wait3A_54 = arith.constant 0 : i32
        %dma_wait3A_55 = tpu.memref_slice %arg5[%dma_wait3A_53, %dma_wait3A_54] : memref<640x128xf32, #tpu.memory_space<hbm>> -> memref<624x128xf32, #tpu.memory_space<hbm>>
        tpu.wait_dma2 semaphore(%run_scoped3A : memref<!tpu.dma_semaphore, #tpu.memory_space<semaphore_mem>>) src(%dma_wait3A_55 : memref<624x128xf32, #tpu.memory_space<hbm>>) dst(%dma_wait3A_52 : memref<624x128xf32, #tpu.memory_space<vmem_shared>>)
        tpu.yield
      }) : () -> ()
    } else {
    }
    %eq3A = arith.constant 15 : i32
    %eq3A_5 = arith.cmpi eq, %arg1, %eq3A : i32
    %convert_element_type3A_6 = arith.extui %eq3A_5 : i1 to i32
    %cond3A_7 = arith.constant 0 : i32
    %cond3A_8 = arith.cmpi ne, %convert_element_type3A_6, %cond3A_7 : i32
    scf.if %cond3A_8 {
      "tpu.region"() ({
        %run_scoped3A = tpu.sem_alloc : memref<!tpu.dma_semaphore, #tpu.memory_space<semaphore_mem>>
        %dma_start3A = arith.constant 9360 : i32
        %dma_start3A_48 = arith.constant 0 : i32
        %dma_start3A_49 = tpu.memref_slice %arg11[%dma_start3A, %dma_start3A_48] : memref<10000x128xf32, #tpu.memory_space<vmem_shared>> -> memref<640x128xf32, #tpu.memory_space<vmem_shared>>
        tpu.enqueue_dma source(%arg5 : memref<640x128xf32, #tpu.memory_space<hbm>>) target(%dma_start3A_49 : memref<640x128xf32, #tpu.memory_space<vmem_shared>>) target_semaphore(%run_scoped3A : memref<!tpu.dma_semaphore, #tpu.memory_space<semaphore_mem>>)
        %dma_wait3A = arith.constant 9360 : i32
        %dma_wait3A_50 = arith.constant 0 : i32
        %dma_wait3A_51 = tpu.memref_slice %arg11[%dma_wait3A, %dma_wait3A_50] : memref<10000x128xf32, #tpu.memory_space<vmem_shared>> -> memref<640x128xf32, #tpu.memory_space<vmem_shared>>
        tpu.wait_dma2 semaphore(%run_scoped3A : memref<!tpu.dma_semaphore, #tpu.memory_space<semaphore_mem>>) src(%arg5 : memref<640x128xf32, #tpu.memory_space<hbm>>) dst(%dma_wait3A_51 : memref<640x128xf32, #tpu.memory_space<vmem_shared>>)
        tpu.yield
      }) : () -> ()
    } else {
    }
    %barrier3A = arith.constant 0 : index
    tpu.barrier barrier_id(%barrier3A)
    "tpu.region"() ({
      %run_scoped3A = tpu.sem_alloc : memref<!tpu.dma_semaphore, #tpu.memory_space<semaphore_mem>>
      %dma_start3A = arith.constant 0 : i32
      %dma_start3A_48 = arith.constant 0 : i32
      %dma_start3A_49 = tpu.memref_slice %arg3[%add3A, %dma_start3A, %dma_start3A_48] : memref<32x125x80xi32, #tpu.memory_space<hbm>> -> memref<1x125x80xi32, #tpu.memory_space<hbm>>
      %dma_start3A_50 = tpu.memref_squeeze %dma_start3A_49 : memref<1x125x80xi32, #tpu.memory_space<hbm>> -> memref<125x80xi32, #tpu.memory_space<hbm>>
      %dma_start3A_51 = arith.constant 0 : i32
      %dma_start3A_52 = arith.constant 0 : i32
      %dma_start3A_53 = tpu.memref_slice %arg3[%add3A, %dma_start3A_51, %dma_start3A_52] : memref<32x125x80xi32, #tpu.memory_space<hbm>> -> memref<1x125x80xi32, #tpu.memory_space<hbm>>
      %dma_start3A_54 = tpu.memref_squeeze %dma_start3A_53 : memref<1x125x80xi32, #tpu.memory_space<hbm>> -> memref<125x80xi32, #tpu.memory_space<hbm>>
      tpu.enqueue_dma source(%dma_start3A_54 : memref<125x80xi32, #tpu.memory_space<hbm>>) target(%arg8 : memref<125x80xi32, #tpu.memory_space<vmem>>) target_semaphore(%run_scoped3A : memref<!tpu.dma_semaphore, #tpu.memory_space<semaphore_mem>>)
      %dma_wait3A = arith.constant 0 : i32
      %dma_wait3A_55 = arith.constant 0 : i32
      %dma_wait3A_56 = tpu.memref_slice %arg3[%add3A, %dma_wait3A, %dma_wait3A_55] : memref<32x125x80xi32, #tpu.memory_space<hbm>> -> memref<1x125x80xi32, #tpu.memory_space<hbm>>
      %dma_wait3A_57 = tpu.memref_squeeze %dma_wait3A_56 : memref<1x125x80xi32, #tpu.memory_space<hbm>> -> memref<125x80xi32, #tpu.memory_space<hbm>>
      %dma_wait3A_58 = arith.constant 0 : i32
      %dma_wait3A_59 = arith.constant 0 : i32
      %dma_wait3A_60 = tpu.memref_slice %arg3[%add3A, %dma_wait3A_58, %dma_wait3A_59] : memref<32x125x80xi32, #tpu.memory_space<hbm>> -> memref<1x125x80xi32, #tpu.memory_space<hbm>>
      %dma_wait3A_61 = tpu.memref_squeeze %dma_wait3A_60 : memref<1x125x80xi32, #tpu.memory_space<hbm>> -> memref<125x80xi32, #tpu.memory_space<hbm>>
      tpu.wait_dma2 semaphore(%run_scoped3A : memref<!tpu.dma_semaphore, #tpu.memory_space<semaphore_mem>>) src(%dma_wait3A_61 : memref<125x80xi32, #tpu.memory_space<hbm>>) dst(%arg8 : memref<125x80xi32, #tpu.memory_space<vmem>>)
      tpu.yield
    }) : () -> ()
    "tpu.region"() ({
      %run_scoped3A = tpu.sem_alloc : memref<!tpu.dma_semaphore, #tpu.memory_space<semaphore_mem>>
      %dma_start3A = arith.constant 0 : i32
      %dma_start3A_48 = arith.constant 0 : i32
      %dma_start3A_49 = tpu.memref_slice %arg4[%add3A, %dma_start3A, %dma_start3A_48] : memref<32x125x80xi32, #tpu.memory_space<hbm>> -> memref<1x125x80xi32, #tpu.memory_space<hbm>>
      %dma_start3A_50 = tpu.memref_squeeze %dma_start3A_49 : memref<1x125x80xi32, #tpu.memory_space<hbm>> -> memref<125x80xi32, #tpu.memory_space<hbm>>
      %dma_start3A_51 = arith.constant 0 : i32
      %dma_start3A_52 = arith.constant 0 : i32
      %dma_start3A_53 = tpu.memref_slice %arg4[%add3A, %dma_start3A_51, %dma_start3A_52] : memref<32x125x80xi32, #tpu.memory_space<hbm>> -> memref<1x125x80xi32, #tpu.memory_space<hbm>>
      %dma_start3A_54 = tpu.memref_squeeze %dma_start3A_53 : memref<1x125x80xi32, #tpu.memory_space<hbm>> -> memref<125x80xi32, #tpu.memory_space<hbm>>
      tpu.enqueue_dma source(%dma_start3A_54 : memref<125x80xi32, #tpu.memory_space<hbm>>) target(%arg9 : memref<125x80xi32, #tpu.memory_space<vmem>>) target_semaphore(%run_scoped3A : memref<!tpu.dma_semaphore, #tpu.memory_space<semaphore_mem>>)
      %dma_wait3A = arith.constant 0 : i32
      %dma_wait3A_55 = arith.constant 0 : i32
      %dma_wait3A_56 = tpu.memref_slice %arg4[%add3A, %dma_wait3A, %dma_wait3A_55] : memref<32x125x80xi32, #tpu.memory_space<hbm>> -> memref<1x125x80xi32, #tpu.memory_space<hbm>>
      %dma_wait3A_57 = tpu.memref_squeeze %dma_wait3A_56 : memref<1x125x80xi32, #tpu.memory_space<hbm>> -> memref<125x80xi32, #tpu.memory_space<hbm>>
      %dma_wait3A_58 = arith.constant 0 : i32
      %dma_wait3A_59 = arith.constant 0 : i32
      %dma_wait3A_60 = tpu.memref_slice %arg4[%add3A, %dma_wait3A_58, %dma_wait3A_59] : memref<32x125x80xi32, #tpu.memory_space<hbm>> -> memref<1x125x80xi32, #tpu.memory_space<hbm>>
      %dma_wait3A_61 = tpu.memref_squeeze %dma_wait3A_60 : memref<1x125x80xi32, #tpu.memory_space<hbm>> -> memref<125x80xi32, #tpu.memory_space<hbm>>
      tpu.wait_dma2 semaphore(%run_scoped3A : memref<!tpu.dma_semaphore, #tpu.memory_space<semaphore_mem>>) src(%dma_wait3A_61 : memref<125x80xi32, #tpu.memory_space<hbm>>) dst(%arg9 : memref<125x80xi32, #tpu.memory_space<vmem>>)
      tpu.yield
    }) : () -> ()
    %scan3A = arith.constant 0 : i32
    %scan3A_9 = arith.constant 125 : i32
    %scan3A_10 = arith.addi %scan3A, %scan3A_9 : i32
    %scan3A_11 = arith.constant 1 : i32
    scf.for %scan3A_48 = %scan3A to %scan3A_10 step %scan3A_11  : i32 {
      %mul3A_49 = arith.constant 1 : i32
      %mul3A_50 = arith.muli %scan3A_48, %mul3A_49 : i32
      %add3A_51 = arith.constant 0 : i32
      %add3A_52 = arith.addi %add3A_51, %mul3A_50 : i32
      "tpu.region"() ({
        %run_scoped3A = tpu.sem_alloc : memref<!tpu.dma_semaphore, #tpu.memory_space<semaphore_mem>>
        %dma_start3A = arith.constant 0 : i32
        %dma_start3A_53 = tpu.memref_slice %arg8[%add3A_52, %dma_start3A] : memref<125x80xi32, #tpu.memory_space<vmem>> -> memref<1x80xi32, #tpu.memory_space<vmem>>
        %dma_start3A_54 = tpu.memref_squeeze %dma_start3A_53 : memref<1x80xi32, #tpu.memory_space<vmem>> -> memref<80xi32, #tpu.memory_space<vmem>>
        %dma_start3A_55 = arith.constant 0 : i32
        %dma_start3A_56 = arith.constant 0 : i32
        %dma_start3A_57 = tpu.memref_slice %arg2[%dma_start3A_55, %dma_start3A_56] : memref<10000x128xf32, #tpu.memory_space<hbm>> -> memref<10000x128xf32, #tpu.memory_space<hbm>>
        tpu.enqueue_indirect_dma source(%dma_start3A_57 : memref<10000x128xf32, #tpu.memory_space<hbm>>) target(%arg10 : memref<80x128xf32, #tpu.memory_space<vmem>>) offsets(%dma_start3A_54 : memref<80xi32, #tpu.memory_space<vmem>>) semaphore(%run_scoped3A : memref<!tpu.dma_semaphore, #tpu.memory_space<semaphore_mem>>)
        %dma_wait3A = arith.constant 0 : i32
        %dma_wait3A_58 = tpu.memref_slice %arg8[%add3A_52, %dma_wait3A] : memref<125x80xi32, #tpu.memory_space<vmem>> -> memref<1x80xi32, #tpu.memory_space<vmem>>
        %dma_wait3A_59 = tpu.memref_squeeze %dma_wait3A_58 : memref<1x80xi32, #tpu.memory_space<vmem>> -> memref<80xi32, #tpu.memory_space<vmem>>
        %dma_wait3A_60 = arith.constant 0 : i32
        %dma_wait3A_61 = arith.constant 0 : i32
        %dma_wait3A_62 = tpu.memref_slice %arg2[%dma_wait3A_60, %dma_wait3A_61] : memref<10000x128xf32, #tpu.memory_space<hbm>> -> memref<10000x128xf32, #tpu.memory_space<hbm>>
        tpu.wait_indirect_dma semaphore(%run_scoped3A : memref<!tpu.dma_semaphore, #tpu.memory_space<semaphore_mem>>) src(%dma_wait3A_62 : memref<10000x128xf32, #tpu.memory_space<hbm>>) dst(%arg10 : memref<80x128xf32, #tpu.memory_space<vmem>>)
        tpu.yield
      }) : () -> ()
      "tpu.region"() ({
        %run_scoped3A = tpu.sem_alloc : memref<!tpu.dma_semaphore, #tpu.memory_space<semaphore_mem>>
        %dma_start3A = arith.constant 0 : i32
        %dma_start3A_53 = tpu.memref_slice %arg9[%add3A_52, %dma_start3A] : memref<125x80xi32, #tpu.memory_space<vmem>> -> memref<1x80xi32, #tpu.memory_space<vmem>>
        %dma_start3A_54 = tpu.memref_squeeze %dma_start3A_53 : memref<1x80xi32, #tpu.memory_space<vmem>> -> memref<80xi32, #tpu.memory_space<vmem>>
        %dma_start3A_55 = arith.constant 0 : i32
        %dma_start3A_56 = arith.constant 0 : i32
        %dma_start3A_57 = tpu.memref_slice %arg11[%dma_start3A_55, %dma_start3A_56] : memref<10000x128xf32, #tpu.memory_space<vmem_shared>> -> memref<10000x128xf32, #tpu.memory_space<vmem_shared>>
        tpu.enqueue_indirect_dma source(%arg10 : memref<80x128xf32, #tpu.memory_space<vmem>>) target(%dma_start3A_57 : memref<10000x128xf32, #tpu.memory_space<vmem_shared>>) offsets(%dma_start3A_54 : memref<80xi32, #tpu.memory_space<vmem>>) semaphore(%run_scoped3A : memref<!tpu.dma_semaphore, #tpu.memory_space<semaphore_mem>>) {add = true}
        %dma_wait3A = arith.constant 0 : i32
        %dma_wait3A_58 = tpu.memref_slice %arg9[%add3A_52, %dma_wait3A] : memref<125x80xi32, #tpu.memory_space<vmem>> -> memref<1x80xi32, #tpu.memory_space<vmem>>
        %dma_wait3A_59 = tpu.memref_squeeze %dma_wait3A_58 : memref<1x80xi32, #tpu.memory_space<vmem>> -> memref<80xi32, #tpu.memory_space<vmem>>
        %dma_wait3A_60 = arith.constant 0 : i32
        %dma_wait3A_61 = arith.constant 0 : i32
        %dma_wait3A_62 = tpu.memref_slice %arg11[%dma_wait3A_60, %dma_wait3A_61] : memref<10000x128xf32, #tpu.memory_space<vmem_shared>> -> memref<10000x128xf32, #tpu.memory_space<vmem_shared>>
        tpu.wait_indirect_dma semaphore(%run_scoped3A : memref<!tpu.dma_semaphore, #tpu.memory_space<semaphore_mem>>) src(%arg10 : memref<80x128xf32, #tpu.memory_space<vmem>>) dst(%dma_wait3A_62 : memref<10000x128xf32, #tpu.memory_space<vmem_shared>>)
        tpu.yield
      }) : () -> ()
    }
    %scan3A_12 = arith.constant 125 : i32
    %barrier3A_13 = arith.constant 0 : index
    tpu.barrier barrier_id(%barrier3A_13)
    %mul3A_14 = arith.constant 624 : i32
    %mul3A_15 = arith.muli %arg1, %mul3A_14 : i32
    %multiple_of3A_16 = tpu.assume_multiple %mul3A_15, 8 : i32
    %eq3A_17 = arith.constant 0 : i32
    %eq3A_18 = arith.cmpi eq, %arg0, %eq3A_17 : i32
    %lt3A_19 = arith.constant 15 : i32
    %lt3A_20 = arith.cmpi slt, %arg1, %lt3A_19 : i32
    %and3A = arith.andi %eq3A_18, %lt3A_20 : i1
    %convert_element_type3A_21 = arith.extui %and3A : i1 to i32
    %cond3A_22 = arith.constant 0 : i32
    %cond3A_23 = arith.cmpi ne, %convert_element_type3A_21, %cond3A_22 : i32
    scf.if %cond3A_23 {
      "tpu.region"() ({
        %run_scoped3A = tpu.sem_alloc : memref<!tpu.dma_semaphore, #tpu.memory_space<semaphore_mem>>
        %dma_start3A = arith.constant 0 : i32
        %dma_start3A_48 = tpu.memref_slice %arg6[%multiple_of3A_16, %dma_start3A] : memref<10000x128xf32, #tpu.memory_space<hbm>> -> memref<624x128xf32, #tpu.memory_space<hbm>>
        %dma_start3A_49 = arith.constant 0 : i32
        %dma_start3A_50 = tpu.memref_slice %arg11[%multiple_of3A_16, %dma_start3A_49] : memref<10000x128xf32, #tpu.memory_space<vmem_shared>> -> memref<624x128xf32, #tpu.memory_space<vmem_shared>>
        tpu.enqueue_dma source(%dma_start3A_50 : memref<624x128xf32, #tpu.memory_space<vmem_shared>>) target(%dma_start3A_48 : memref<624x128xf32, #tpu.memory_space<hbm>>) target_semaphore(%run_scoped3A : memref<!tpu.dma_semaphore, #tpu.memory_space<semaphore_mem>>)
        %dma_wait3A = arith.constant 0 : i32
        %dma_wait3A_51 = tpu.memref_slice %arg6[%multiple_of3A_16, %dma_wait3A] : memref<10000x128xf32, #tpu.memory_space<hbm>> -> memref<624x128xf32, #tpu.memory_space<hbm>>
        %dma_wait3A_52 = arith.constant 0 : i32
        %dma_wait3A_53 = tpu.memref_slice %arg11[%multiple_of3A_16, %dma_wait3A_52] : memref<10000x128xf32, #tpu.memory_space<vmem_shared>> -> memref<624x128xf32, #tpu.memory_space<vmem_shared>>
        tpu.wait_dma2 semaphore(%run_scoped3A : memref<!tpu.dma_semaphore, #tpu.memory_space<semaphore_mem>>) src(%dma_wait3A_53 : memref<624x128xf32, #tpu.memory_space<vmem_shared>>) dst(%dma_wait3A_51 : memref<624x128xf32, #tpu.memory_space<hbm>>)
        tpu.yield
      }) : () -> ()
    } else {
    }
    %eq3A_24 = arith.constant 0 : i32
    %eq3A_25 = arith.cmpi eq, %arg0, %eq3A_24 : i32
    %eq3A_26 = arith.constant 15 : i32
    %eq3A_27 = arith.cmpi eq, %arg1, %eq3A_26 : i32
    %and3A_28 = arith.andi %eq3A_25, %eq3A_27 : i1
    %convert_element_type3A_29 = arith.extui %and3A_28 : i1 to i32
    %cond3A_30 = arith.constant 0 : i32
    %cond3A_31 = arith.cmpi ne, %convert_element_type3A_29, %cond3A_30 : i32
    scf.if %cond3A_31 {
      "tpu.region"() ({
        %run_scoped3A = tpu.sem_alloc : memref<!tpu.dma_semaphore, #tpu.memory_space<semaphore_mem>>
        %dma_start3A = arith.constant 9360 : i32
        %dma_start3A_48 = arith.constant 0 : i32
        %dma_start3A_49 = tpu.memref_slice %arg6[%dma_start3A, %dma_start3A_48] : memref<10000x128xf32, #tpu.memory_space<hbm>> -> memref<640x128xf32, #tpu.memory_space<hbm>>
        %dma_start3A_50 = arith.constant 9360 : i32
        %dma_start3A_51 = arith.constant 0 : i32
        %dma_start3A_52 = tpu.memref_slice %arg11[%dma_start3A_50, %dma_start3A_51] : memref<10000x128xf32, #tpu.memory_space<vmem_shared>> -> memref<640x128xf32, #tpu.memory_space<vmem_shared>>
        tpu.enqueue_dma source(%dma_start3A_52 : memref<640x128xf32, #tpu.memory_space<vmem_shared>>) target(%dma_start3A_49 : memref<640x128xf32, #tpu.memory_space<hbm>>) target_semaphore(%run_scoped3A : memref<!tpu.dma_semaphore, #tpu.memory_space<semaphore_mem>>)
        %dma_wait3A = arith.constant 9360 : i32
        %dma_wait3A_53 = arith.constant 0 : i32
        %dma_wait3A_54 = tpu.memref_slice %arg6[%dma_wait3A, %dma_wait3A_53] : memref<10000x128xf32, #tpu.memory_space<hbm>> -> memref<640x128xf32, #tpu.memory_space<hbm>>
        %dma_wait3A_55 = arith.constant 9360 : i32
        %dma_wait3A_56 = arith.constant 0 : i32
        %dma_wait3A_57 = tpu.memref_slice %arg11[%dma_wait3A_55, %dma_wait3A_56] : memref<10000x128xf32, #tpu.memory_space<vmem_shared>> -> memref<640x128xf32, #tpu.memory_space<vmem_shared>>
        tpu.wait_dma2 semaphore(%run_scoped3A : memref<!tpu.dma_semaphore, #tpu.memory_space<semaphore_mem>>) src(%dma_wait3A_57 : memref<640x128xf32, #tpu.memory_space<vmem_shared>>) dst(%dma_wait3A_54 : memref<640x128xf32, #tpu.memory_space<hbm>>)
        tpu.yield
      }) : () -> ()
    } else {
    }
    %eq3A_32 = arith.constant 1 : i32
    %eq3A_33 = arith.cmpi eq, %arg0, %eq3A_32 : i32
    %lt3A_34 = arith.constant 15 : i32
    %lt3A_35 = arith.cmpi slt, %arg1, %lt3A_34 : i32
    %and3A_36 = arith.andi %eq3A_33, %lt3A_35 : i1
    %convert_element_type3A_37 = arith.extui %and3A_36 : i1 to i32
    %cond3A_38 = arith.constant 0 : i32
    %cond3A_39 = arith.cmpi ne, %convert_element_type3A_37, %cond3A_38 : i32
    scf.if %cond3A_39 {
      "tpu.region"() ({
        %run_scoped3A = tpu.sem_alloc : memref<!tpu.dma_semaphore, #tpu.memory_space<semaphore_mem>>
        %dma_start3A = arith.constant 0 : i32
        %dma_start3A_48 = tpu.memref_slice %arg7[%multiple_of3A_16, %dma_start3A] : memref<10000x128xf32, #tpu.memory_space<hbm>> -> memref<624x128xf32, #tpu.memory_space<hbm>>
        %dma_start3A_49 = arith.constant 0 : i32
        %dma_start3A_50 = tpu.memref_slice %arg11[%multiple_of3A_16, %dma_start3A_49] : memref<10000x128xf32, #tpu.memory_space<vmem_shared>> -> memref<624x128xf32, #tpu.memory_space<vmem_shared>>
        tpu.enqueue_dma source(%dma_start3A_50 : memref<624x128xf32, #tpu.memory_space<vmem_shared>>) target(%dma_start3A_48 : memref<624x128xf32, #tpu.memory_space<hbm>>) target_semaphore(%run_scoped3A : memref<!tpu.dma_semaphore, #tpu.memory_space<semaphore_mem>>)
        %dma_wait3A = arith.constant 0 : i32
        %dma_wait3A_51 = tpu.memref_slice %arg7[%multiple_of3A_16, %dma_wait3A] : memref<10000x128xf32, #tpu.memory_space<hbm>> -> memref<624x128xf32, #tpu.memory_space<hbm>>
        %dma_wait3A_52 = arith.constant 0 : i32
        %dma_wait3A_53 = tpu.memref_slice %arg11[%multiple_of3A_16, %dma_wait3A_52] : memref<10000x128xf32, #tpu.memory_space<vmem_shared>> -> memref<624x128xf32, #tpu.memory_space<vmem_shared>>
        tpu.wait_dma2 semaphore(%run_scoped3A : memref<!tpu.dma_semaphore, #tpu.memory_space<semaphore_mem>>) src(%dma_wait3A_53 : memref<624x128xf32, #tpu.memory_space<vmem_shared>>) dst(%dma_wait3A_51 : memref<624x128xf32, #tpu.memory_space<hbm>>)
        tpu.yield
      }) : () -> ()
    } else {
    }
    %eq3A_40 = arith.constant 1 : i32
    %eq3A_41 = arith.cmpi eq, %arg0, %eq3A_40 : i32
    %eq3A_42 = arith.constant 15 : i32
    %eq3A_43 = arith.cmpi eq, %arg1, %eq3A_42 : i32
    %and3A_44 = arith.andi %eq3A_41, %eq3A_43 : i1
    %convert_element_type3A_45 = arith.extui %and3A_44 : i1 to i32
    %cond3A_46 = arith.constant 0 : i32
    %cond3A_47 = arith.cmpi ne, %convert_element_type3A_45, %cond3A_46 : i32
    scf.if %cond3A_47 {
      "tpu.region"() ({
        %run_scoped3A = tpu.sem_alloc : memref<!tpu.dma_semaphore, #tpu.memory_space<semaphore_mem>>
        %dma_start3A = arith.constant 9360 : i32
        %dma_start3A_48 = arith.constant 0 : i32
        %dma_start3A_49 = tpu.memref_slice %arg7[%dma_start3A, %dma_start3A_48] : memref<10000x128xf32, #tpu.memory_space<hbm>> -> memref<640x128xf32, #tpu.memory_space<hbm>>
        %dma_start3A_50 = arith.constant 9360 : i32
        %dma_start3A_51 = arith.constant 0 : i32
        %dma_start3A_52 = tpu.memref_slice %arg11[%dma_start3A_50, %dma_start3A_51] : memref<10000x128xf32, #tpu.memory_space<vmem_shared>> -> memref<640x128xf32, #tpu.memory_space<vmem_shared>>
        tpu.enqueue_dma source(%dma_start3A_52 : memref<640x128xf32, #tpu.memory_space<vmem_shared>>) target(%dma_start3A_49 : memref<640x128xf32, #tpu.memory_space<hbm>>) target_semaphore(%run_scoped3A : memref<!tpu.dma_semaphore, #tpu.memory_space<semaphore_mem>>)
        %dma_wait3A = arith.constant 9360 : i32
        %dma_wait3A_53 = arith.constant 0 : i32
        %dma_wait3A_54 = tpu.memref_slice %arg7[%dma_wait3A, %dma_wait3A_53] : memref<10000x128xf32, #tpu.memory_space<hbm>> -> memref<640x128xf32, #tpu.memory_space<hbm>>
        %dma_wait3A_55 = arith.constant 9360 : i32
        %dma_wait3A_56 = arith.constant 0 : i32
        %dma_wait3A_57 = tpu.memref_slice %arg11[%dma_wait3A_55, %dma_wait3A_56] : memref<10000x128xf32, #tpu.memory_space<vmem_shared>> -> memref<640x128xf32, #tpu.memory_space<vmem_shared>>
        tpu.wait_dma2 semaphore(%run_scoped3A : memref<!tpu.dma_semaphore, #tpu.memory_space<semaphore_mem>>) src(%dma_wait3A_57 : memref<640x128xf32, #tpu.memory_space<vmem_shared>>) dst(%dma_wait3A_54 : memref<640x128xf32, #tpu.memory_space<hbm>>)
        tpu.yield
      }) : () -> ()
    } else {
    }
    return
  }
}

#map = affine_map<(d0, d1) -> (0, 0)>
#map1 = affine_map<(d0, d1) -> (0, 0, 0)>
module attributes {stable_mosaic.version = 14 : i64} {
  func.func @k(%arg0: i32, %arg1: i32, %arg2: memref<10000x128xf32, #tpu.memory_space<hbm>>, %arg3: memref<32x125x80xi32, #tpu.memory_space<hbm>>, %arg4: memref<32x125x80xi32, #tpu.memory_space<hbm>>, %arg5: memref<640x128xf32, #tpu.memory_space<hbm>>, %arg6: memref<10000x128xf32, #tpu.memory_space<hbm>>, %arg7: memref<10000x128xf32, #tpu.memory_space<hbm>>, %arg8: memref<125x80xi32, #tpu.memory_space<vmem>>, %arg9: memref<125x80xi32, #tpu.memory_space<vmem>>, %arg10: memref<80x128xf32, #tpu.memory_space<vmem>>, %arg11: memref<10000x128xf32, #tpu.memory_space<vmem_shared>>) attributes {dimension_semantics = [#tpu.dimension_semantics<core_parallel>, #tpu.dimension_semantics<subcore_parallel>], iteration_bounds = array<i64: 2, 16>, scalar_prefetch = 0 : i64, scratch_operands = 4 : i64, tpu.core_type = #tpu.core_type<sc_vector_subcore>, window_params = [{transform_indices = #map}, {transform_indices = #map1}, {transform_indices = #map1}, {transform_indices = #map}, {transform_indices = #map}, {transform_indices = #map}]} {
    %mul3A = arith.constant 16 : i32
    %mul3A_0 = arith.muli %arg0, %mul3A : i32
    %add3A = arith.addi %mul3A_0, %arg1 : i32
    %mul3A_1 = arith.constant 624 : i32
    %mul3A_2 = arith.muli %arg1, %mul3A_1 : i32
    %multiple_of3A = tpu.assume_multiple %mul3A_2, 8 : i32
    %lt3A = arith.constant 15 : i32
    %lt3A_3 = arith.cmpi slt, %arg1, %lt3A : i32
    %convert_element_type3A = arith.extui %lt3A_3 : i1 to i32
    %cond3A = arith.constant 0 : i32
    %cond3A_4 = arith.cmpi ne, %convert_element_type3A, %cond3A : i32
    scf.if %cond3A_4 {
      "tpu.region"() ({
        %run_scoped3A = tpu.sem_alloc : memref<!tpu.dma_semaphore, #tpu.memory_space<semaphore_mem>>
        %dma_start3A = arith.constant 0 : i32
        %dma_start3A_48 = tpu.memref_slice %arg11[%multiple_of3A, %dma_start3A] : memref<10000x128xf32, #tpu.memory_space<vmem_shared>> -> memref<624x128xf32, #tpu.memory_space<vmem_shared>>
        %dma_start3A_49 = arith.constant 0 : i32
        %dma_start3A_50 = arith.constant 0 : i32
        %dma_start3A_51 = tpu.memref_slice %arg5[%dma_start3A_49, %dma_start3A_50] : memref<640x128xf32, #tpu.memory_space<hbm>> -> memref<624x128xf32, #tpu.memory_space<hbm>>
        tpu.enqueue_dma source(%dma_start3A_51 : memref<624x128xf32, #tpu.memory_space<hbm>>) target(%dma_start3A_48 : memref<624x128xf32, #tpu.memory_space<vmem_shared>>) target_semaphore(%run_scoped3A : memref<!tpu.dma_semaphore, #tpu.memory_space<semaphore_mem>>)
        %dma_wait3A = arith.constant 0 : i32
        %dma_wait3A_52 = tpu.memref_slice %arg11[%multiple_of3A, %dma_wait3A] : memref<10000x128xf32, #tpu.memory_space<vmem_shared>> -> memref<624x128xf32, #tpu.memory_space<vmem_shared>>
        %dma_wait3A_53 = arith.constant 0 : i32
        %dma_wait3A_54 = arith.constant 0 : i32
        %dma_wait3A_55 = tpu.memref_slice %arg5[%dma_wait3A_53, %dma_wait3A_54] : memref<640x128xf32, #tpu.memory_space<hbm>> -> memref<624x128xf32, #tpu.memory_space<hbm>>
        tpu.wait_dma2 semaphore(%run_scoped3A : memref<!tpu.dma_semaphore, #tpu.memory_space<semaphore_mem>>) src(%dma_wait3A_55 : memref<624x128xf32, #tpu.memory_space<hbm>>) dst(%dma_wait3A_52 : memref<624x128xf32, #tpu.memory_space<vmem_shared>>)
        tpu.yield
      }) : () -> ()
    } else {
    }
    %eq3A = arith.constant 15 : i32
    %eq3A_5 = arith.cmpi eq, %arg1, %eq3A : i32
    %convert_element_type3A_6 = arith.extui %eq3A_5 : i1 to i32
    %cond3A_7 = arith.constant 0 : i32
    %cond3A_8 = arith.cmpi ne, %convert_element_type3A_6, %cond3A_7 : i32
    scf.if %cond3A_8 {
      "tpu.region"() ({
        %run_scoped3A = tpu.sem_alloc : memref<!tpu.dma_semaphore, #tpu.memory_space<semaphore_mem>>
        %dma_start3A = arith.constant 9360 : i32
        %dma_start3A_48 = arith.constant 0 : i32
        %dma_start3A_49 = tpu.memref_slice %arg11[%dma_start3A, %dma_start3A_48] : memref<10000x128xf32, #tpu.memory_space<vmem_shared>> -> memref<640x128xf32, #tpu.memory_space<vmem_shared>>
        tpu.enqueue_dma source(%arg5 : memref<640x128xf32, #tpu.memory_space<hbm>>) target(%dma_start3A_49 : memref<640x128xf32, #tpu.memory_space<vmem_shared>>) target_semaphore(%run_scoped3A : memref<!tpu.dma_semaphore, #tpu.memory_space<semaphore_mem>>)
        %dma_wait3A = arith.constant 9360 : i32
        %dma_wait3A_50 = arith.constant 0 : i32
        %dma_wait3A_51 = tpu.memref_slice %arg11[%dma_wait3A, %dma_wait3A_50] : memref<10000x128xf32, #tpu.memory_space<vmem_shared>> -> memref<640x128xf32, #tpu.memory_space<vmem_shared>>
        tpu.wait_dma2 semaphore(%run_scoped3A : memref<!tpu.dma_semaphore, #tpu.memory_space<semaphore_mem>>) src(%arg5 : memref<640x128xf32, #tpu.memory_space<hbm>>) dst(%dma_wait3A_51 : memref<640x128xf32, #tpu.memory_space<vmem_shared>>)
        tpu.yield
      }) : () -> ()
    } else {
    }
    %barrier3A = arith.constant 0 : index
    tpu.barrier barrier_id(%barrier3A)
    "tpu.region"() ({
      %run_scoped3A = tpu.sem_alloc : memref<!tpu.dma_semaphore, #tpu.memory_space<semaphore_mem>>
      %dma_start3A = arith.constant 0 : i32
      %dma_start3A_48 = arith.constant 0 : i32
      %dma_start3A_49 = tpu.memref_slice %arg3[%add3A, %dma_start3A, %dma_start3A_48] : memref<32x125x80xi32, #tpu.memory_space<hbm>> -> memref<1x125x80xi32, #tpu.memory_space<hbm>>
      %dma_start3A_50 = tpu.memref_squeeze %dma_start3A_49 : memref<1x125x80xi32, #tpu.memory_space<hbm>> -> memref<125x80xi32, #tpu.memory_space<hbm>>
      %dma_start3A_51 = arith.constant 0 : i32
      %dma_start3A_52 = arith.constant 0 : i32
      %dma_start3A_53 = tpu.memref_slice %arg3[%add3A, %dma_start3A_51, %dma_start3A_52] : memref<32x125x80xi32, #tpu.memory_space<hbm>> -> memref<1x125x80xi32, #tpu.memory_space<hbm>>
      %dma_start3A_54 = tpu.memref_squeeze %dma_start3A_53 : memref<1x125x80xi32, #tpu.memory_space<hbm>> -> memref<125x80xi32, #tpu.memory_space<hbm>>
      tpu.enqueue_dma source(%dma_start3A_54 : memref<125x80xi32, #tpu.memory_space<hbm>>) target(%arg8 : memref<125x80xi32, #tpu.memory_space<vmem>>) target_semaphore(%run_scoped3A : memref<!tpu.dma_semaphore, #tpu.memory_space<semaphore_mem>>)
      %dma_wait3A = arith.constant 0 : i32
      %dma_wait3A_55 = arith.constant 0 : i32
      %dma_wait3A_56 = tpu.memref_slice %arg3[%add3A, %dma_wait3A, %dma_wait3A_55] : memref<32x125x80xi32, #tpu.memory_space<hbm>> -> memref<1x125x80xi32, #tpu.memory_space<hbm>>
      %dma_wait3A_57 = tpu.memref_squeeze %dma_wait3A_56 : memref<1x125x80xi32, #tpu.memory_space<hbm>> -> memref<125x80xi32, #tpu.memory_space<hbm>>
      %dma_wait3A_58 = arith.constant 0 : i32
      %dma_wait3A_59 = arith.constant 0 : i32
      %dma_wait3A_60 = tpu.memref_slice %arg3[%add3A, %dma_wait3A_58, %dma_wait3A_59] : memref<32x125x80xi32, #tpu.memory_space<hbm>> -> memref<1x125x80xi32, #tpu.memory_space<hbm>>
      %dma_wait3A_61 = tpu.memref_squeeze %dma_wait3A_60 : memref<1x125x80xi32, #tpu.memory_space<hbm>> -> memref<125x80xi32, #tpu.memory_space<hbm>>
      tpu.wait_dma2 semaphore(%run_scoped3A : memref<!tpu.dma_semaphore, #tpu.memory_space<semaphore_mem>>) src(%dma_wait3A_61 : memref<125x80xi32, #tpu.memory_space<hbm>>) dst(%arg8 : memref<125x80xi32, #tpu.memory_space<vmem>>)
      tpu.yield
    }) : () -> ()
    "tpu.region"() ({
      %run_scoped3A = tpu.sem_alloc : memref<!tpu.dma_semaphore, #tpu.memory_space<semaphore_mem>>
      %dma_start3A = arith.constant 0 : i32
      %dma_start3A_48 = arith.constant 0 : i32
      %dma_start3A_49 = tpu.memref_slice %arg4[%add3A, %dma_start3A, %dma_start3A_48] : memref<32x125x80xi32, #tpu.memory_space<hbm>> -> memref<1x125x80xi32, #tpu.memory_space<hbm>>
      %dma_start3A_50 = tpu.memref_squeeze %dma_start3A_49 : memref<1x125x80xi32, #tpu.memory_space<hbm>> -> memref<125x80xi32, #tpu.memory_space<hbm>>
      %dma_start3A_51 = arith.constant 0 : i32
      %dma_start3A_52 = arith.constant 0 : i32
      %dma_start3A_53 = tpu.memref_slice %arg4[%add3A, %dma_start3A_51, %dma_start3A_52] : memref<32x125x80xi32, #tpu.memory_space<hbm>> -> memref<1x125x80xi32, #tpu.memory_space<hbm>>
      %dma_start3A_54 = tpu.memref_squeeze %dma_start3A_53 : memref<1x125x80xi32, #tpu.memory_space<hbm>> -> memref<125x80xi32, #tpu.memory_space<hbm>>
      tpu.enqueue_dma source(%dma_start3A_54 : memref<125x80xi32, #tpu.memory_space<hbm>>) target(%arg9 : memref<125x80xi32, #tpu.memory_space<vmem>>) target_semaphore(%run_scoped3A : memref<!tpu.dma_semaphore, #tpu.memory_space<semaphore_mem>>)
      %dma_wait3A = arith.constant 0 : i32
      %dma_wait3A_55 = arith.constant 0 : i32
      %dma_wait3A_56 = tpu.memref_slice %arg4[%add3A, %dma_wait3A, %dma_wait3A_55] : memref<32x125x80xi32, #tpu.memory_space<hbm>> -> memref<1x125x80xi32, #tpu.memory_space<hbm>>
      %dma_wait3A_57 = tpu.memref_squeeze %dma_wait3A_56 : memref<1x125x80xi32, #tpu.memory_space<hbm>> -> memref<125x80xi32, #tpu.memory_space<hbm>>
      %dma_wait3A_58 = arith.constant 0 : i32
      %dma_wait3A_59 = arith.constant 0 : i32
      %dma_wait3A_60 = tpu.memref_slice %arg4[%add3A, %dma_wait3A_58, %dma_wait3A_59] : memref<32x125x80xi32, #tpu.memory_space<hbm>> -> memref<1x125x80xi32, #tpu.memory_space<hbm>>
      %dma_wait3A_61 = tpu.memref_squeeze %dma_wait3A_60 : memref<1x125x80xi32, #tpu.memory_space<hbm>> -> memref<125x80xi32, #tpu.memory_space<hbm>>
      tpu.wait_dma2 semaphore(%run_scoped3A : memref<!tpu.dma_semaphore, #tpu.memory_space<semaphore_mem>>) src(%dma_wait3A_61 : memref<125x80xi32, #tpu.memory_space<hbm>>) dst(%arg9 : memref<125x80xi32, #tpu.memory_space<vmem>>)
      tpu.yield
    }) : () -> ()
    %scan3A = arith.constant 0 : i32
    %scan3A_9 = arith.constant 125 : i32
    %scan3A_10 = arith.addi %scan3A, %scan3A_9 : i32
    %scan3A_11 = arith.constant 1 : i32
    scf.for %scan3A_48 = %scan3A to %scan3A_10 step %scan3A_11  : i32 {
      %mul3A_49 = arith.constant 1 : i32
      %mul3A_50 = arith.muli %scan3A_48, %mul3A_49 : i32
      %add3A_51 = arith.constant 0 : i32
      %add3A_52 = arith.addi %add3A_51, %mul3A_50 : i32
      "tpu.region"() ({
        %run_scoped3A = tpu.sem_alloc : memref<!tpu.dma_semaphore, #tpu.memory_space<semaphore_mem>>
        %dma_start3A = arith.constant 0 : i32
        %dma_start3A_53 = tpu.memref_slice %arg8[%add3A_52, %dma_start3A] : memref<125x80xi32, #tpu.memory_space<vmem>> -> memref<1x80xi32, #tpu.memory_space<vmem>>
        %dma_start3A_54 = tpu.memref_squeeze %dma_start3A_53 : memref<1x80xi32, #tpu.memory_space<vmem>> -> memref<80xi32, #tpu.memory_space<vmem>>
        %dma_start3A_55 = arith.constant 0 : i32
        %dma_start3A_56 = arith.constant 0 : i32
        %dma_start3A_57 = tpu.memref_slice %arg2[%dma_start3A_55, %dma_start3A_56] : memref<10000x128xf32, #tpu.memory_space<hbm>> -> memref<10000x128xf32, #tpu.memory_space<hbm>>
        tpu.enqueue_indirect_dma source(%dma_start3A_57 : memref<10000x128xf32, #tpu.memory_space<hbm>>) target(%arg10 : memref<80x128xf32, #tpu.memory_space<vmem>>) offsets(%dma_start3A_54 : memref<80xi32, #tpu.memory_space<vmem>>) semaphore(%run_scoped3A : memref<!tpu.dma_semaphore, #tpu.memory_space<semaphore_mem>>)
        %dma_wait3A = arith.constant 0 : i32
        %dma_wait3A_58 = tpu.memref_slice %arg8[%add3A_52, %dma_wait3A] : memref<125x80xi32, #tpu.memory_space<vmem>> -> memref<1x80xi32, #tpu.memory_space<vmem>>
        %dma_wait3A_59 = tpu.memref_squeeze %dma_wait3A_58 : memref<1x80xi32, #tpu.memory_space<vmem>> -> memref<80xi32, #tpu.memory_space<vmem>>
        %dma_wait3A_60 = arith.constant 0 : i32
        %dma_wait3A_61 = arith.constant 0 : i32
        %dma_wait3A_62 = tpu.memref_slice %arg2[%dma_wait3A_60, %dma_wait3A_61] : memref<10000x128xf32, #tpu.memory_space<hbm>> -> memref<10000x128xf32, #tpu.memory_space<hbm>>
        tpu.wait_indirect_dma semaphore(%run_scoped3A : memref<!tpu.dma_semaphore, #tpu.memory_space<semaphore_mem>>) src(%dma_wait3A_62 : memref<10000x128xf32, #tpu.memory_space<hbm>>) dst(%arg10 : memref<80x128xf32, #tpu.memory_space<vmem>>)
        tpu.yield
      }) : () -> ()
      "tpu.region"() ({
        %run_scoped3A = tpu.sem_alloc : memref<!tpu.dma_semaphore, #tpu.memory_space<semaphore_mem>>
        %dma_start3A = arith.constant 0 : i32
        %dma_start3A_53 = tpu.memref_slice %arg9[%add3A_52, %dma_start3A] : memref<125x80xi32, #tpu.memory_space<vmem>> -> memref<1x80xi32, #tpu.memory_space<vmem>>
        %dma_start3A_54 = tpu.memref_squeeze %dma_start3A_53 : memref<1x80xi32, #tpu.memory_space<vmem>> -> memref<80xi32, #tpu.memory_space<vmem>>
        %dma_start3A_55 = arith.constant 0 : i32
        %dma_start3A_56 = arith.constant 0 : i32
        %dma_start3A_57 = tpu.memref_slice %arg11[%dma_start3A_55, %dma_start3A_56] : memref<10000x128xf32, #tpu.memory_space<vmem_shared>> -> memref<10000x128xf32, #tpu.memory_space<vmem_shared>>
        tpu.enqueue_indirect_dma source(%arg10 : memref<80x128xf32, #tpu.memory_space<vmem>>) target(%dma_start3A_57 : memref<10000x128xf32, #tpu.memory_space<vmem_shared>>) offsets(%dma_start3A_54 : memref<80xi32, #tpu.memory_space<vmem>>) semaphore(%run_scoped3A : memref<!tpu.dma_semaphore, #tpu.memory_space<semaphore_mem>>) {add = true}
        %dma_wait3A = arith.constant 0 : i32
        %dma_wait3A_58 = tpu.memref_slice %arg9[%add3A_52, %dma_wait3A] : memref<125x80xi32, #tpu.memory_space<vmem>> -> memref<1x80xi32, #tpu.memory_space<vmem>>
        %dma_wait3A_59 = tpu.memref_squeeze %dma_wait3A_58 : memref<1x80xi32, #tpu.memory_space<vmem>> -> memref<80xi32, #tpu.memory_space<vmem>>
        %dma_wait3A_60 = arith.constant 0 : i32
        %dma_wait3A_61 = arith.constant 0 : i32
        %dma_wait3A_62 = tpu.memref_slice %arg11[%dma_wait3A_60, %dma_wait3A_61] : memref<10000x128xf32, #tpu.memory_space<vmem_shared>> -> memref<10000x128xf32, #tpu.memory_space<vmem_shared>>
        tpu.wait_indirect_dma semaphore(%run_scoped3A : memref<!tpu.dma_semaphore, #tpu.memory_space<semaphore_mem>>) src(%arg10 : memref<80x128xf32, #tpu.memory_space<vmem>>) dst(%dma_wait3A_62 : memref<10000x128xf32, #tpu.memory_space<vmem_shared>>)
        tpu.yield
      }) : () -> ()
    }
    %scan3A_12 = arith.constant 125 : i32
    %barrier3A_13 = arith.constant 0 : index
    tpu.barrier barrier_id(%barrier3A_13)
    %mul3A_14 = arith.constant 624 : i32
    %mul3A_15 = arith.muli %arg1, %mul3A_14 : i32
    %multiple_of3A_16 = tpu.assume_multiple %mul3A_15, 8 : i32
    %eq3A_17 = arith.constant 0 : i32
    %eq3A_18 = arith.cmpi eq, %arg0, %eq3A_17 : i32
    %lt3A_19 = arith.constant 15 : i32
    %lt3A_20 = arith.cmpi slt, %arg1, %lt3A_19 : i32
    %and3A = arith.andi %eq3A_18, %lt3A_20 : i1
    %convert_element_type3A_21 = arith.extui %and3A : i1 to i32
    %cond3A_22 = arith.constant 0 : i32
    %cond3A_23 = arith.cmpi ne, %convert_element_type3A_21, %cond3A_22 : i32
    scf.if %cond3A_23 {
      "tpu.region"() ({
        %run_scoped3A = tpu.sem_alloc : memref<!tpu.dma_semaphore, #tpu.memory_space<semaphore_mem>>
        %dma_start3A = arith.constant 0 : i32
        %dma_start3A_48 = tpu.memref_slice %arg6[%multiple_of3A_16, %dma_start3A] : memref<10000x128xf32, #tpu.memory_space<hbm>> -> memref<624x128xf32, #tpu.memory_space<hbm>>
        %dma_start3A_49 = arith.constant 0 : i32
        %dma_start3A_50 = tpu.memref_slice %arg11[%multiple_of3A_16, %dma_start3A_49] : memref<10000x128xf32, #tpu.memory_space<vmem_shared>> -> memref<624x128xf32, #tpu.memory_space<vmem_shared>>
        tpu.enqueue_dma source(%dma_start3A_50 : memref<624x128xf32, #tpu.memory_space<vmem_shared>>) target(%dma_start3A_48 : memref<624x128xf32, #tpu.memory_space<hbm>>) target_semaphore(%run_scoped3A : memref<!tpu.dma_semaphore, #tpu.memory_space<semaphore_mem>>)
        %dma_wait3A = arith.constant 0 : i32
        %dma_wait3A_51 = tpu.memref_slice %arg6[%multiple_of3A_16, %dma_wait3A] : memref<10000x128xf32, #tpu.memory_space<hbm>> -> memref<624x128xf32, #tpu.memory_space<hbm>>
        %dma_wait3A_52 = arith.constant 0 : i32
        %dma_wait3A_53 = tpu.memref_slice %arg11[%multiple_of3A_16, %dma_wait3A_52] : memref<10000x128xf32, #tpu.memory_space<vmem_shared>> -> memref<624x128xf32, #tpu.memory_space<vmem_shared>>
        tpu.wait_dma2 semaphore(%run_scoped3A : memref<!tpu.dma_semaphore, #tpu.memory_space<semaphore_mem>>) src(%dma_wait3A_53 : memref<624x128xf32, #tpu.memory_space<vmem_shared>>) dst(%dma_wait3A_51 : memref<624x128xf32, #tpu.memory_space<hbm>>)
        tpu.yield
      }) : () -> ()
    } else {
    }
    %eq3A_24 = arith.constant 0 : i32
    %eq3A_25 = arith.cmpi eq, %arg0, %eq3A_24 : i32
    %eq3A_26 = arith.constant 15 : i32
    %eq3A_27 = arith.cmpi eq, %arg1, %eq3A_26 : i32
    %and3A_28 = arith.andi %eq3A_25, %eq3A_27 : i1
    %convert_element_type3A_29 = arith.extui %and3A_28 : i1 to i32
    %cond3A_30 = arith.constant 0 : i32
    %cond3A_31 = arith.cmpi ne, %convert_element_type3A_29, %cond3A_30 : i32
    scf.if %cond3A_31 {
      "tpu.region"() ({
        %run_scoped3A = tpu.sem_alloc : memref<!tpu.dma_semaphore, #tpu.memory_space<semaphore_mem>>
        %dma_start3A = arith.constant 9360 : i32
        %dma_start3A_48 = arith.constant 0 : i32
        %dma_start3A_49 = tpu.memref_slice %arg6[%dma_start3A, %dma_start3A_48] : memref<10000x128xf32, #tpu.memory_space<hbm>> -> memref<640x128xf32, #tpu.memory_space<hbm>>
        %dma_start3A_50 = arith.constant 9360 : i32
        %dma_start3A_51 = arith.constant 0 : i32
        %dma_start3A_52 = tpu.memref_slice %arg11[%dma_start3A_50, %dma_start3A_51] : memref<10000x128xf32, #tpu.memory_space<vmem_shared>> -> memref<640x128xf32, #tpu.memory_space<vmem_shared>>
        tpu.enqueue_dma source(%dma_start3A_52 : memref<640x128xf32, #tpu.memory_space<vmem_shared>>) target(%dma_start3A_49 : memref<640x128xf32, #tpu.memory_space<hbm>>) target_semaphore(%run_scoped3A : memref<!tpu.dma_semaphore, #tpu.memory_space<semaphore_mem>>)
        %dma_wait3A = arith.constant 9360 : i32
        %dma_wait3A_53 = arith.constant 0 : i32
        %dma_wait3A_54 = tpu.memref_slice %arg6[%dma_wait3A, %dma_wait3A_53] : memref<10000x128xf32, #tpu.memory_space<hbm>> -> memref<640x128xf32, #tpu.memory_space<hbm>>
        %dma_wait3A_55 = arith.constant 9360 : i32
        %dma_wait3A_56 = arith.constant 0 : i32
        %dma_wait3A_57 = tpu.memref_slice %arg11[%dma_wait3A_55, %dma_wait3A_56] : memref<10000x128xf32, #tpu.memory_space<vmem_shared>> -> memref<640x128xf32, #tpu.memory_space<vmem_shared>>
        tpu.wait_dma2 semaphore(%run_scoped3A : memref<!tpu.dma_semaphore, #tpu.memory_space<semaphore_mem>>) src(%dma_wait3A_57 : memref<640x128xf32, #tpu.memory_space<vmem_shared>>) dst(%dma_wait3A_54 : memref<640x128xf32, #tpu.memory_space<hbm>>)
        tpu.yield
      }) : () -> ()
    } else {
    }
    %eq3A_32 = arith.constant 1 : i32
    %eq3A_33 = arith.cmpi eq, %arg0, %eq3A_32 : i32
    %lt3A_34 = arith.constant 15 : i32
    %lt3A_35 = arith.cmpi slt, %arg1, %lt3A_34 : i32
    %and3A_36 = arith.andi %eq3A_33, %lt3A_35 : i1
    %convert_element_type3A_37 = arith.extui %and3A_36 : i1 to i32
    %cond3A_38 = arith.constant 0 : i32
    %cond3A_39 = arith.cmpi ne, %convert_element_type3A_37, %cond3A_38 : i32
    scf.if %cond3A_39 {
      "tpu.region"() ({
        %run_scoped3A = tpu.sem_alloc : memref<!tpu.dma_semaphore, #tpu.memory_space<semaphore_mem>>
        %dma_start3A = arith.constant 0 : i32
        %dma_start3A_48 = tpu.memref_slice %arg7[%multiple_of3A_16, %dma_start3A] : memref<10000x128xf32, #tpu.memory_space<hbm>> -> memref<624x128xf32, #tpu.memory_space<hbm>>
        %dma_start3A_49 = arith.constant 0 : i32
        %dma_start3A_50 = tpu.memref_slice %arg11[%multiple_of3A_16, %dma_start3A_49] : memref<10000x128xf32, #tpu.memory_space<vmem_shared>> -> memref<624x128xf32, #tpu.memory_space<vmem_shared>>
        tpu.enqueue_dma source(%dma_start3A_50 : memref<624x128xf32, #tpu.memory_space<vmem_shared>>) target(%dma_start3A_48 : memref<624x128xf32, #tpu.memory_space<hbm>>) target_semaphore(%run_scoped3A : memref<!tpu.dma_semaphore, #tpu.memory_space<semaphore_mem>>)
        %dma_wait3A = arith.constant 0 : i32
        %dma_wait3A_51 = tpu.memref_slice %arg7[%multiple_of3A_16, %dma_wait3A] : memref<10000x128xf32, #tpu.memory_space<hbm>> -> memref<624x128xf32, #tpu.memory_space<hbm>>
        %dma_wait3A_52 = arith.constant 0 : i32
        %dma_wait3A_53 = tpu.memref_slice %arg11[%multiple_of3A_16, %dma_wait3A_52] : memref<10000x128xf32, #tpu.memory_space<vmem_shared>> -> memref<624x128xf32, #tpu.memory_space<vmem_shared>>
        tpu.wait_dma2 semaphore(%run_scoped3A : memref<!tpu.dma_semaphore, #tpu.memory_space<semaphore_mem>>) src(%dma_wait3A_53 : memref<624x128xf32, #tpu.memory_space<vmem_shared>>) dst(%dma_wait3A_51 : memref<624x128xf32, #tpu.memory_space<hbm>>)
        tpu.yield
      }) : () -> ()
    } else {
    }
    %eq3A_40 = arith.constant 1 : i32
    %eq3A_41 = arith.cmpi eq, %arg0, %eq3A_40 : i32
    %eq3A_42 = arith.constant 15 : i32
    %eq3A_43 = arith.cmpi eq, %arg1, %eq3A_42 : i32
    %and3A_44 = arith.andi %eq3A_41, %eq3A_43 : i1
    %convert_element_type3A_45 = arith.extui %and3A_44 : i1 to i32
    %cond3A_46 = arith.constant 0 : i32
    %cond3A_47 = arith.cmpi ne, %convert_element_type3A_45, %cond3A_46 : i32
    scf.if %cond3A_47 {
      "tpu.region"() ({
        %run_scoped3A = tpu.sem_alloc : memref<!tpu.dma_semaphore, #tpu.memory_space<semaphore_mem>>
        %dma_start3A = arith.constant 9360 : i32
        %dma_start3A_48 = arith.constant 0 : i32
        %dma_start3A_49 = tpu.memref_slice %arg7[%dma_start3A, %dma_start3A_48] : memref<10000x128xf32, #tpu.memory_space<hbm>> -> memref<640x128xf32, #tpu.memory_space<hbm>>
        %dma_start3A_50 = arith.constant 9360 : i32
        %dma_start3A_51 = arith.constant 0 : i32
        %dma_start3A_52 = tpu.memref_slice %arg11[%dma_start3A_50, %dma_start3A_51] : memref<10000x128xf32, #tpu.memory_space<vmem_shared>> -> memref<640x128xf32, #tpu.memory_space<vmem_shared>>
        tpu.enqueue_dma source(%dma_start3A_52 : memref<640x128xf32, #tpu.memory_space<vmem_shared>>) target(%dma_start3A_49 : memref<640x128xf32, #tpu.memory_space<hbm>>) target_semaphore(%run_scoped3A : memref<!tpu.dma_semaphore, #tpu.memory_space<semaphore_mem>>)
        %dma_wait3A = arith.constant 9360 : i32
        %dma_wait3A_53 = arith.constant 0 : i32
        %dma_wait3A_54 = tpu.memref_slice %arg7[%dma_wait3A, %dma_wait3A_53] : memref<10000x128xf32, #tpu.memory_space<hbm>> -> memref<640x128xf32, #tpu.memory_space<hbm>>
        %dma_wait3A_55 = arith.constant 9360 : i32
        %dma_wait3A_56 = arith.constant 0 : i32
        %dma_wait3A_57 = tpu.memref_slice %arg11[%dma_wait3A_55, %dma_wait3A_56] : memref<10000x128xf32, #tpu.memory_space<vmem_shared>> -> memref<640x128xf32, #tpu.memory_space<vmem_shared>>
        tpu.wait_dma2 semaphore(%run_scoped3A : memref<!tpu.dma_semaphore, #tpu.memory_space<semaphore_mem>>) src(%dma_wait3A_57 : memref<640x128xf32, #tpu.memory_space<vmem_shared>>) dst(%dma_wait3A_54 : memref<640x128xf32, #tpu.memory_space<hbm>>)
        tpu.yield
      }) : () -> ()
    } else {
    }
    return
  }
}

module attributes {stable_mosaic.version = 14 : i64} {
  func.func @body(%arg0: i32, %arg1: memref<1000x128xf32, #tpu.memory_space<vmem>>, %arg2: memref<128x128xf32, #tpu.memory_space<vmem>>, %arg3: memref<1x128xf32, #tpu.memory_space<vmem>>, %arg4: memref<1000x128xf32, #tpu.memory_space<vmem>>) attributes {dimension_semantics = [#tpu.dimension_semantics<parallel>], iteration_bounds = array<i64: 10>, scalar_prefetch = 0 : i64, scratch_operands = 0 : i64, tpu.core_type = #tpu.core_type<tc>, window_params = [{transform_indices = @transform_0, window_bounds = array<i64: 1000, 128>}, {pipeline_mode = #tpu.pipeline_mode<synchronous>, transform_indices = @transform_1, window_bounds = array<i64: 128, 128>}, {pipeline_mode = #tpu.pipeline_mode<synchronous>, transform_indices = @transform_2, window_bounds = array<i64: 1, 128>}, {transform_indices = @transform_3, window_bounds = array<i64: 1000, 128>}]} {
    %get3A = arith.constant 0 : index
    %get3A_0 = arith.constant 0 : index
    %get3A_1 = vector.load %arg1[%get3A, %get3A_0] : memref<1000x128xf32, #tpu.memory_space<vmem>>, vector<1000x128xf32>
    %get3A_2 = arith.constant 0 : index
    %get3A_3 = arith.constant 0 : index
    %get3A_4 = vector.load %arg2[%get3A_2, %get3A_3] : memref<128x128xf32, #tpu.memory_space<vmem>>, vector<128x128xf32>
    %dot_general3A = arith.constant dense<0.000000e+00> : vector<1000x128xf32>
    %dot_general3A_5 = tpu.matmul %get3A_1, %get3A_4, %dot_general3A {dimension_numbers = #tpu.dot_dimension_numbers<[1], [0], [0], [1], [0, 0, 1, 1], [], []>, transpose_lhs_hint = false} : vector<1000x128xf32>, vector<128x128xf32>, vector<1000x128xf32> -> vector<1000x128xf32>
    %get3A_6 = arith.constant 0 : index
    %get3A_7 = arith.constant 0 : index
    %get3A_8 = vector.load %arg3[%get3A_6, %get3A_7] : memref<1x128xf32, #tpu.memory_space<vmem>>, vector<1x128xf32>
    %add3A = vector.broadcast %get3A_8 : vector<1x128xf32> to vector<1000x128xf32>
    %add3A_9 = arith.addf %dot_general3A_5, %add3A : vector<1000x128xf32>
    %max3A = arith.constant 0.000000e+00 : f32
    %max3A_10 = vector.broadcast %max3A : f32 to vector<1000x128xf32>
    %max3A_11 = arith.maximumf %add3A_9, %max3A_10 : vector<1000x128xf32>
    %swap3A = arith.constant 0 : index
    %swap3A_12 = arith.constant 0 : index
    %swap3A_13 = vector.load %arg4[%swap3A, %swap3A_12] : memref<1000x128xf32, #tpu.memory_space<vmem>>, vector<1000x128xf32>
    tpu.vector_store %arg4[%swap3A, %swap3A_12], %max3A_11 {strides = array<i32>} : memref<1000x128xf32, #tpu.memory_space<vmem>>, vector<1000x128xf32>,
    return
  }
  func.func @transform_0(%arg0: i32) -> (i32, i32) {
    %c0_i32 = arith.constant 0 : i32
    %c0_i32_0 = arith.constant 0 : i32
    return %arg0, %c0_i32 : i32, i32
  }
  func.func @transform_1(%arg0: i32) -> (i32, i32) {
    %c0_i32 = arith.constant 0 : i32
    %c0_i32_0 = arith.constant 0 : i32
    %c0_i32_1 = arith.constant 0 : i32
    return %c0_i32, %c0_i32_0 : i32, i32
  }
  func.func @transform_2(%arg0: i32) -> (i32, i32) {
    %c0_i32 = arith.constant 0 : i32
    %c0_i32_0 = arith.constant 0 : i32
    %c0_i32_1 = arith.constant 0 : i32
    return %c0_i32, %c0_i32_0 : i32, i32
  }
  func.func @transform_3(%arg0: i32) -> (i32, i32) {
    %c0_i32 = arith.constant 0 : i32
    %c0_i32_0 = arith.constant 0 : i32
    return %arg0, %c0_i32 : i32, i32
  }
}

module attributes {stable_mosaic.version = 14 : i64} {
  func.func @body(%arg0: i32, %arg1: memref<1000x128xf32, #tpu.memory_space<vmem>>, %arg2: memref<1000x128xf32, #tpu.memory_space<vmem>>, %arg3: memref<1000x128xf32, #tpu.memory_space<vmem>>, %arg4: memref<128x128xf32, #tpu.memory_space<vmem>>, %arg5: memref<1x128xf32, #tpu.memory_space<vmem>>, %arg6: memref<128x128xf32, #tpu.memory_space<vmem>>, %arg7: memref<1x128xf32, #tpu.memory_space<vmem>>, %arg8: memref<128x384xf32, #tpu.memory_space<vmem>>, %arg9: memref<1x384xf32, #tpu.memory_space<vmem>>, %arg10: memref<128x384xf32, #tpu.memory_space<vmem>>, %arg11: memref<1x384xf32, #tpu.memory_space<vmem>>, %arg12: memref<1000x128xf32, #tpu.memory_space<vmem>>) attributes {dimension_semantics = [#tpu.dimension_semantics<parallel>], iteration_bounds = array<i64: 10>, scalar_prefetch = 0 : i64, scratch_operands = 0 : i64, tpu.core_type = #tpu.core_type<tc>, window_params = [{transform_indices = @transform_0, window_bounds = array<i64: 1000, 128>}, {transform_indices = @transform_1, window_bounds = array<i64: 1000, 128>}, {transform_indices = @transform_2, window_bounds = array<i64: 1000, 128>}, {pipeline_mode = #tpu.pipeline_mode<synchronous>, transform_indices = @transform_3, window_bounds = array<i64: 128, 128>}, {pipeline_mode = #tpu.pipeline_mode<synchronous>, transform_indices = @transform_4, window_bounds = array<i64: 1, 128>}, {pipeline_mode = #tpu.pipeline_mode<synchronous>, transform_indices = @transform_5, window_bounds = array<i64: 128, 128>}, {pipeline_mode = #tpu.pipeline_mode<synchronous>, transform_indices = @transform_6, window_bounds = array<i64: 1, 128>}, {pipeline_mode = #tpu.pipeline_mode<synchronous>, transform_indices = @transform_7, window_bounds = array<i64: 128, 384>}, {pipeline_mode = #tpu.pipeline_mode<synchronous>, transform_indices = @transform_8, window_bounds = array<i64: 1, 384>}, {pipeline_mode = #tpu.pipeline_mode<synchronous>, transform_indices = @transform_9, window_bounds = array<i64: 128, 384>}, {pipeline_mode = #tpu.pipeline_mode<synchronous>, transform_indices = @transform_10, window_bounds = array<i64: 1, 384>}, {transform_indices = @transform_11, window_bounds = array<i64: 1000, 128>}]} {
    %get3A = arith.constant 0 : index
    %get3A_0 = arith.constant 0 : index
    %get3A_1 = vector.load %arg1[%get3A, %get3A_0] : memref<1000x128xf32, #tpu.memory_space<vmem>>, vector<1000x128xf32>
    %get3A_2 = arith.constant 0 : index
    %get3A_3 = arith.constant 0 : index
    %get3A_4 = vector.load %arg2[%get3A_2, %get3A_3] : memref<1000x128xf32, #tpu.memory_space<vmem>>, vector<1000x128xf32>
    %add3A = arith.addf %get3A_1, %get3A_4 : vector<1000x128xf32>
    %get3A_5 = arith.constant 0 : index
    %get3A_6 = arith.constant 0 : index
    %get3A_7 = vector.load %arg3[%get3A_5, %get3A_6] : memref<1000x128xf32, #tpu.memory_space<vmem>>, vector<1000x128xf32>
    %add3A_8 = arith.addf %add3A, %get3A_7 : vector<1000x128xf32>
    %get3A_9 = arith.constant 0 : index
    %get3A_10 = arith.constant 0 : index
    %get3A_11 = vector.load %arg4[%get3A_9, %get3A_10] : memref<128x128xf32, #tpu.memory_space<vmem>>, vector<128x128xf32>
    %dot_general3A = arith.constant dense<0.000000e+00> : vector<1000x128xf32>
    %dot_general3A_12 = tpu.matmul %add3A_8, %get3A_11, %dot_general3A {dimension_numbers = #tpu.dot_dimension_numbers<[1], [0], [0], [1], [0, 0, 1, 1], [], []>, transpose_lhs_hint = false} : vector<1000x128xf32>, vector<128x128xf32>, vector<1000x128xf32> -> vector<1000x128xf32>
    %get3A_13 = arith.constant 0 : index
    %get3A_14 = arith.constant 0 : index
    %get3A_15 = vector.load %arg5[%get3A_13, %get3A_14] : memref<1x128xf32, #tpu.memory_space<vmem>>, vector<1x128xf32>
    %add3A_16 = vector.broadcast %get3A_15 : vector<1x128xf32> to vector<1000x128xf32>
    %add3A_17 = arith.addf %dot_general3A_12, %add3A_16 : vector<1000x128xf32>
    %max3A = arith.constant 0.000000e+00 : f32
    %max3A_18 = vector.broadcast %max3A : f32 to vector<1000x128xf32>
    %max3A_19 = arith.maximumf %add3A_17, %max3A_18 : vector<1000x128xf32>
    %get3A_20 = arith.constant 0 : index
    %get3A_21 = arith.constant 0 : index
    %get3A_22 = vector.load %arg6[%get3A_20, %get3A_21] : memref<128x128xf32, #tpu.memory_space<vmem>>, vector<128x128xf32>
    %dot_general3A_23 = arith.constant dense<0.000000e+00> : vector<1000x128xf32>
    %dot_general3A_24 = tpu.matmul %max3A_19, %get3A_22, %dot_general3A_23 {dimension_numbers = #tpu.dot_dimension_numbers<[1], [0], [0], [1], [0, 0, 1, 1], [], []>, transpose_lhs_hint = false} : vector<1000x128xf32>, vector<128x128xf32>, vector<1000x128xf32> -> vector<1000x128xf32>
    %get3A_25 = arith.constant 0 : index
    %get3A_26 = arith.constant 0 : index
    %get3A_27 = vector.load %arg7[%get3A_25, %get3A_26] : memref<1x128xf32, #tpu.memory_space<vmem>>, vector<1x128xf32>
    %add3A_28 = vector.broadcast %get3A_27 : vector<1x128xf32> to vector<1000x128xf32>
    %add3A_29 = arith.addf %dot_general3A_24, %add3A_28 : vector<1000x128xf32>
    %max3A_30 = arith.constant 0.000000e+00 : f32
    %max3A_31 = vector.broadcast %max3A_30 : f32 to vector<1000x128xf32>
    %max3A_32 = arith.maximumf %add3A_29, %max3A_31 : vector<1000x128xf32>
    %get3A_33 = arith.constant 0 : index
    %get3A_34 = arith.constant 0 : index
    %get3A_35 = vector.load %arg8[%get3A_33, %get3A_34] : memref<128x384xf32, #tpu.memory_space<vmem>>, vector<128x384xf32>
    %dot_general3A_36 = arith.constant dense<0.000000e+00> : vector<1000x384xf32>
    %dot_general3A_37 = tpu.matmul %max3A_32, %get3A_35, %dot_general3A_36 {dimension_numbers = #tpu.dot_dimension_numbers<[1], [0], [0], [1], [0, 0, 1, 1], [], []>, transpose_lhs_hint = false} : vector<1000x128xf32>, vector<128x384xf32>, vector<1000x384xf32> -> vector<1000x384xf32>
    %get3A_38 = arith.constant 0 : index
    %get3A_39 = arith.constant 0 : index
    %get3A_40 = vector.load %arg9[%get3A_38, %get3A_39] : memref<1x384xf32, #tpu.memory_space<vmem>>, vector<1x384xf32>
    %add3A_41 = vector.broadcast %get3A_40 : vector<1x384xf32> to vector<1000x384xf32>
    %add3A_42 = arith.addf %dot_general3A_37, %add3A_41 : vector<1000x384xf32>
    %get3A_43 = arith.constant 0 : index
    %get3A_44 = arith.constant 0 : index
    %get3A_45 = vector.load %arg10[%get3A_43, %get3A_44] : memref<128x384xf32, #tpu.memory_space<vmem>>, vector<128x384xf32>
    %dot_general3A_46 = arith.constant dense<0.000000e+00> : vector<1000x384xf32>
    %dot_general3A_47 = tpu.matmul %get3A_1, %get3A_45, %dot_general3A_46 {dimension_numbers = #tpu.dot_dimension_numbers<[1], [0], [0], [1], [0, 0, 1, 1], [], []>, transpose_lhs_hint = false} : vector<1000x128xf32>, vector<128x384xf32>, vector<1000x384xf32> -> vector<1000x384xf32>
    %get3A_48 = arith.constant 0 : index
    %get3A_49 = arith.constant 0 : index
    %get3A_50 = vector.load %arg11[%get3A_48, %get3A_49] : memref<1x384xf32, #tpu.memory_space<vmem>>, vector<1x384xf32>
    %add3A_51 = vector.broadcast %get3A_50 : vector<1x384xf32> to vector<1000x384xf32>
    %add3A_52 = arith.addf %dot_general3A_47, %add3A_51 : vector<1000x384xf32>
    %slice3A = vector.extract_strided_slice %add3A_42 {offsets = [0, 0], sizes = [1000, 128], strides = [1, 1]} : vector<1000x384xf32> to vector<1000x128xf32>
    %slice3A_53 = vector.extract_strided_slice %add3A_52 {offsets = [0, 0], sizes = [1000, 128], strides = [1, 1]} : vector<1000x384xf32> to vector<1000x128xf32>
    %add3A_54 = arith.addf %slice3A, %slice3A_53 : vector<1000x128xf32>
    %logistic3A = arith.negf %add3A_54 : vector<1000x128xf32>
    %logistic3A_55 = math.exp %logistic3A : vector<1000x128xf32>
    %logistic3A_56 = arith.constant 1.000000e+00 : f32
    %logistic3A_57 = vector.broadcast %logistic3A_56 : f32 to vector<1000x128xf32>
    %logistic3A_58 = arith.addf %logistic3A_57, %logistic3A_55 : vector<1000x128xf32>
    %logistic3A_59 = arith.divf %logistic3A_57, %logistic3A_58 : vector<1000x128xf32>
    %slice3A_60 = vector.extract_strided_slice %add3A_42 {offsets = [0, 128], sizes = [1000, 128], strides = [1, 1]} : vector<1000x384xf32> to vector<1000x128xf32>
    %slice3A_61 = vector.extract_strided_slice %add3A_52 {offsets = [0, 128], sizes = [1000, 128], strides = [1, 1]} : vector<1000x384xf32> to vector<1000x128xf32>
    %add3A_62 = arith.addf %slice3A_60, %slice3A_61 : vector<1000x128xf32>
    %logistic3A_63 = arith.negf %add3A_62 : vector<1000x128xf32>
    %logistic3A_64 = math.exp %logistic3A_63 : vector<1000x128xf32>
    %logistic3A_65 = arith.constant 1.000000e+00 : f32
    %logistic3A_66 = vector.broadcast %logistic3A_65 : f32 to vector<1000x128xf32>
    %logistic3A_67 = arith.addf %logistic3A_66, %logistic3A_64 : vector<1000x128xf32>
    %logistic3A_68 = arith.divf %logistic3A_66, %logistic3A_67 : vector<1000x128xf32>
    %slice3A_69 = vector.extract_strided_slice %add3A_42 {offsets = [0, 256], sizes = [1000, 128], strides = [1, 1]} : vector<1000x384xf32> to vector<1000x128xf32>
    %slice3A_70 = vector.extract_strided_slice %add3A_52 {offsets = [0, 256], sizes = [1000, 128], strides = [1, 1]} : vector<1000x384xf32> to vector<1000x128xf32>
    %mul3A = arith.mulf %logistic3A_59, %slice3A_70 : vector<1000x128xf32>
    %add3A_71 = arith.addf %slice3A_69, %mul3A : vector<1000x128xf32>
    %tanh3A = math.tanh %add3A_71 : vector<1000x128xf32>
    %sub3A = arith.constant 1.000000e+00 : f32
    %sub3A_72 = vector.broadcast %sub3A : f32 to vector<1000x128xf32>
    %sub3A_73 = arith.subf %sub3A_72, %logistic3A_68 : vector<1000x128xf32>
    %mul3A_74 = arith.mulf %sub3A_73, %tanh3A : vector<1000x128xf32>
    %mul3A_75 = arith.mulf %logistic3A_68, %get3A_1 : vector<1000x128xf32>
    %add3A_76 = arith.addf %mul3A_74, %mul3A_75 : vector<1000x128xf32>
    %swap3A = arith.constant 0 : index
    %swap3A_77 = arith.constant 0 : index
    %swap3A_78 = vector.load %arg12[%swap3A, %swap3A_77] : memref<1000x128xf32, #tpu.memory_space<vmem>>, vector<1000x128xf32>
    tpu.vector_store %arg12[%swap3A, %swap3A_77], %add3A_76 {strides = array<i32>} : memref<1000x128xf32, #tpu.memory_space<vmem>>, vector<1000x128xf32>,
    return
  }
  func.func @transform_0(%arg0: i32) -> (i32, i32) {
    %c0_i32 = arith.constant 0 : i32
    %c0_i32_0 = arith.constant 0 : i32
    return %arg0, %c0_i32 : i32, i32
  }
  func.func @transform_1(%arg0: i32) -> (i32, i32) {
    %c0_i32 = arith.constant 0 : i32
    %c0_i32_0 = arith.constant 0 : i32
    return %arg0, %c0_i32 : i32, i32
  }
  func.func @transform_2(%arg0: i32) -> (i32, i32) {
    %c0_i32 = arith.constant 0 : i32
    %c0_i32_0 = arith.constant 0 : i32
    return %arg0, %c0_i32 : i32, i32
  }
  func.func @transform_3(%arg0: i32) -> (i32, i32) {
    %c0_i32 = arith.constant 0 : i32
    %c0_i32_0 = arith.constant 0 : i32
    %c0_i32_1 = arith.constant 0 : i32
    return %c0_i32, %c0_i32_0 : i32, i32
  }
  func.func @transform_4(%arg0: i32) -> (i32, i32) {
    %c0_i32 = arith.constant 0 : i32
    %c0_i32_0 = arith.constant 0 : i32
    %c0_i32_1 = arith.constant 0 : i32
    return %c0_i32, %c0_i32_0 : i32, i32
  }
  func.func @transform_5(%arg0: i32) -> (i32, i32) {
    %c0_i32 = arith.constant 0 : i32
    %c0_i32_0 = arith.constant 0 : i32
    %c0_i32_1 = arith.constant 0 : i32
    return %c0_i32, %c0_i32_0 : i32, i32
  }
  func.func @transform_6(%arg0: i32) -> (i32, i32) {
    %c0_i32 = arith.constant 0 : i32
    %c0_i32_0 = arith.constant 0 : i32
    %c0_i32_1 = arith.constant 0 : i32
    return %c0_i32, %c0_i32_0 : i32, i32
  }
  func.func @transform_7(%arg0: i32) -> (i32, i32) {
    %c0_i32 = arith.constant 0 : i32
    %c0_i32_0 = arith.constant 0 : i32
    %c0_i32_1 = arith.constant 0 : i32
    return %c0_i32, %c0_i32_0 : i32, i32
  }
  func.func @transform_8(%arg0: i32) -> (i32, i32) {
    %c0_i32 = arith.constant 0 : i32
    %c0_i32_0 = arith.constant 0 : i32
    %c0_i32_1 = arith.constant 0 : i32
    return %c0_i32, %c0_i32_0 : i32, i32
  }
  func.func @transform_9(%arg0: i32) -> (i32, i32) {
    %c0_i32 = arith.constant 0 : i32
    %c0_i32_0 = arith.constant 0 : i32
    %c0_i32_1 = arith.constant 0 : i32
    return %c0_i32, %c0_i32_0 : i32, i32
  }
  func.func @transform_10(%arg0: i32) -> (i32, i32) {
    %c0_i32 = arith.constant 0 : i32
    %c0_i32_0 = arith.constant 0 : i32
    %c0_i32_1 = arith.constant 0 : i32
    return %c0_i32, %c0_i32_0 : i32, i32
  }
  func.func @transform_11(%arg0: i32) -> (i32, i32) {
    %c0_i32 = arith.constant 0 : i32
    %c0_i32_0 = arith.constant 0 : i32
    return %arg0, %c0_i32 : i32, i32
  }
}

module attributes {stable_mosaic.version = 14 : i64} {
  func.func @body(%arg0: i32, %arg1: memref<1000x128xf32, #tpu.memory_space<vmem>>, %arg2: memref<1000x128xf32, #tpu.memory_space<vmem>>, %arg3: memref<1000x128xf32, #tpu.memory_space<vmem>>, %arg4: memref<128x128xf32, #tpu.memory_space<vmem>>, %arg5: memref<1x128xf32, #tpu.memory_space<vmem>>, %arg6: memref<128x128xf32, #tpu.memory_space<vmem>>, %arg7: memref<1x128xf32, #tpu.memory_space<vmem>>, %arg8: memref<128x384xf32, #tpu.memory_space<vmem>>, %arg9: memref<1x384xf32, #tpu.memory_space<vmem>>, %arg10: memref<128x384xf32, #tpu.memory_space<vmem>>, %arg11: memref<1x384xf32, #tpu.memory_space<vmem>>, %arg12: memref<1000x128xf32, #tpu.memory_space<vmem>>) attributes {dimension_semantics = [#tpu.dimension_semantics<parallel>], iteration_bounds = array<i64: 10>, scalar_prefetch = 0 : i64, scratch_operands = 0 : i64, tpu.core_type = #tpu.core_type<tc>, window_params = [{transform_indices = @transform_0, window_bounds = array<i64: 1000, 128>}, {transform_indices = @transform_1, window_bounds = array<i64: 1000, 128>}, {transform_indices = @transform_2, window_bounds = array<i64: 1000, 128>}, {pipeline_mode = #tpu.pipeline_mode<synchronous>, transform_indices = @transform_3, window_bounds = array<i64: 128, 128>}, {pipeline_mode = #tpu.pipeline_mode<synchronous>, transform_indices = @transform_4, window_bounds = array<i64: 1, 128>}, {pipeline_mode = #tpu.pipeline_mode<synchronous>, transform_indices = @transform_5, window_bounds = array<i64: 128, 128>}, {pipeline_mode = #tpu.pipeline_mode<synchronous>, transform_indices = @transform_6, window_bounds = array<i64: 1, 128>}, {pipeline_mode = #tpu.pipeline_mode<synchronous>, transform_indices = @transform_7, window_bounds = array<i64: 128, 384>}, {pipeline_mode = #tpu.pipeline_mode<synchronous>, transform_indices = @transform_8, window_bounds = array<i64: 1, 384>}, {pipeline_mode = #tpu.pipeline_mode<synchronous>, transform_indices = @transform_9, window_bounds = array<i64: 128, 384>}, {pipeline_mode = #tpu.pipeline_mode<synchronous>, transform_indices = @transform_10, window_bounds = array<i64: 1, 384>}, {transform_indices = @transform_11, window_bounds = array<i64: 1000, 128>}]} {
    %get3A = arith.constant 0 : index
    %get3A_0 = arith.constant 0 : index
    %get3A_1 = vector.load %arg1[%get3A, %get3A_0] : memref<1000x128xf32, #tpu.memory_space<vmem>>, vector<1000x128xf32>
    %get3A_2 = arith.constant 0 : index
    %get3A_3 = arith.constant 0 : index
    %get3A_4 = vector.load %arg2[%get3A_2, %get3A_3] : memref<1000x128xf32, #tpu.memory_space<vmem>>, vector<1000x128xf32>
    %add3A = arith.addf %get3A_1, %get3A_4 : vector<1000x128xf32>
    %get3A_5 = arith.constant 0 : index
    %get3A_6 = arith.constant 0 : index
    %get3A_7 = vector.load %arg3[%get3A_5, %get3A_6] : memref<1000x128xf32, #tpu.memory_space<vmem>>, vector<1000x128xf32>
    %add3A_8 = arith.addf %add3A, %get3A_7 : vector<1000x128xf32>
    %get3A_9 = arith.constant 0 : index
    %get3A_10 = arith.constant 0 : index
    %get3A_11 = vector.load %arg4[%get3A_9, %get3A_10] : memref<128x128xf32, #tpu.memory_space<vmem>>, vector<128x128xf32>
    %dot_general3A = arith.constant dense<0.000000e+00> : vector<1000x128xf32>
    %dot_general3A_12 = tpu.matmul %add3A_8, %get3A_11, %dot_general3A {dimension_numbers = #tpu.dot_dimension_numbers<[1], [0], [0], [1], [0, 0, 1, 1], [], []>, transpose_lhs_hint = false} : vector<1000x128xf32>, vector<128x128xf32>, vector<1000x128xf32> -> vector<1000x128xf32>
    %get3A_13 = arith.constant 0 : index
    %get3A_14 = arith.constant 0 : index
    %get3A_15 = vector.load %arg5[%get3A_13, %get3A_14] : memref<1x128xf32, #tpu.memory_space<vmem>>, vector<1x128xf32>
    %add3A_16 = vector.broadcast %get3A_15 : vector<1x128xf32> to vector<1000x128xf32>
    %add3A_17 = arith.addf %dot_general3A_12, %add3A_16 : vector<1000x128xf32>
    %max3A = arith.constant 0.000000e+00 : f32
    %max3A_18 = vector.broadcast %max3A : f32 to vector<1000x128xf32>
    %max3A_19 = arith.maximumf %add3A_17, %max3A_18 : vector<1000x128xf32>
    %get3A_20 = arith.constant 0 : index
    %get3A_21 = arith.constant 0 : index
    %get3A_22 = vector.load %arg6[%get3A_20, %get3A_21] : memref<128x128xf32, #tpu.memory_space<vmem>>, vector<128x128xf32>
    %dot_general3A_23 = arith.constant dense<0.000000e+00> : vector<1000x128xf32>
    %dot_general3A_24 = tpu.matmul %max3A_19, %get3A_22, %dot_general3A_23 {dimension_numbers = #tpu.dot_dimension_numbers<[1], [0], [0], [1], [0, 0, 1, 1], [], []>, transpose_lhs_hint = false} : vector<1000x128xf32>, vector<128x128xf32>, vector<1000x128xf32> -> vector<1000x128xf32>
    %get3A_25 = arith.constant 0 : index
    %get3A_26 = arith.constant 0 : index
    %get3A_27 = vector.load %arg7[%get3A_25, %get3A_26] : memref<1x128xf32, #tpu.memory_space<vmem>>, vector<1x128xf32>
    %add3A_28 = vector.broadcast %get3A_27 : vector<1x128xf32> to vector<1000x128xf32>
    %add3A_29 = arith.addf %dot_general3A_24, %add3A_28 : vector<1000x128xf32>
    %max3A_30 = arith.constant 0.000000e+00 : f32
    %max3A_31 = vector.broadcast %max3A_30 : f32 to vector<1000x128xf32>
    %max3A_32 = arith.maximumf %add3A_29, %max3A_31 : vector<1000x128xf32>
    %get3A_33 = arith.constant 0 : index
    %get3A_34 = arith.constant 0 : index
    %get3A_35 = vector.load %arg8[%get3A_33, %get3A_34] : memref<128x384xf32, #tpu.memory_space<vmem>>, vector<128x384xf32>
    %dot_general3A_36 = arith.constant dense<0.000000e+00> : vector<1000x384xf32>
    %dot_general3A_37 = tpu.matmul %max3A_32, %get3A_35, %dot_general3A_36 {dimension_numbers = #tpu.dot_dimension_numbers<[1], [0], [0], [1], [0, 0, 1, 1], [], []>, transpose_lhs_hint = false} : vector<1000x128xf32>, vector<128x384xf32>, vector<1000x384xf32> -> vector<1000x384xf32>
    %get3A_38 = arith.constant 0 : index
    %get3A_39 = arith.constant 0 : index
    %get3A_40 = vector.load %arg9[%get3A_38, %get3A_39] : memref<1x384xf32, #tpu.memory_space<vmem>>, vector<1x384xf32>
    %add3A_41 = vector.broadcast %get3A_40 : vector<1x384xf32> to vector<1000x384xf32>
    %add3A_42 = arith.addf %dot_general3A_37, %add3A_41 : vector<1000x384xf32>
    %get3A_43 = arith.constant 0 : index
    %get3A_44 = arith.constant 0 : index
    %get3A_45 = vector.load %arg10[%get3A_43, %get3A_44] : memref<128x384xf32, #tpu.memory_space<vmem>>, vector<128x384xf32>
    %dot_general3A_46 = arith.constant dense<0.000000e+00> : vector<1000x384xf32>
    %dot_general3A_47 = tpu.matmul %get3A_1, %get3A_45, %dot_general3A_46 {dimension_numbers = #tpu.dot_dimension_numbers<[1], [0], [0], [1], [0, 0, 1, 1], [], []>, transpose_lhs_hint = false} : vector<1000x128xf32>, vector<128x384xf32>, vector<1000x384xf32> -> vector<1000x384xf32>
    %get3A_48 = arith.constant 0 : index
    %get3A_49 = arith.constant 0 : index
    %get3A_50 = vector.load %arg11[%get3A_48, %get3A_49] : memref<1x384xf32, #tpu.memory_space<vmem>>, vector<1x384xf32>
    %add3A_51 = vector.broadcast %get3A_50 : vector<1x384xf32> to vector<1000x384xf32>
    %add3A_52 = arith.addf %dot_general3A_47, %add3A_51 : vector<1000x384xf32>
    %slice3A = vector.extract_strided_slice %add3A_42 {offsets = [0, 0], sizes = [1000, 128], strides = [1, 1]} : vector<1000x384xf32> to vector<1000x128xf32>
    %slice3A_53 = vector.extract_strided_slice %add3A_52 {offsets = [0, 0], sizes = [1000, 128], strides = [1, 1]} : vector<1000x384xf32> to vector<1000x128xf32>
    %add3A_54 = arith.addf %slice3A, %slice3A_53 : vector<1000x128xf32>
    %logistic3A = arith.negf %add3A_54 : vector<1000x128xf32>
    %logistic3A_55 = math.exp %logistic3A : vector<1000x128xf32>
    %logistic3A_56 = arith.constant 1.000000e+00 : f32
    %logistic3A_57 = vector.broadcast %logistic3A_56 : f32 to vector<1000x128xf32>
    %logistic3A_58 = arith.addf %logistic3A_57, %logistic3A_55 : vector<1000x128xf32>
    %logistic3A_59 = arith.divf %logistic3A_57, %logistic3A_58 : vector<1000x128xf32>
    %slice3A_60 = vector.extract_strided_slice %add3A_42 {offsets = [0, 128], sizes = [1000, 128], strides = [1, 1]} : vector<1000x384xf32> to vector<1000x128xf32>
    %slice3A_61 = vector.extract_strided_slice %add3A_52 {offsets = [0, 128], sizes = [1000, 128], strides = [1, 1]} : vector<1000x384xf32> to vector<1000x128xf32>
    %add3A_62 = arith.addf %slice3A_60, %slice3A_61 : vector<1000x128xf32>
    %logistic3A_63 = arith.negf %add3A_62 : vector<1000x128xf32>
    %logistic3A_64 = math.exp %logistic3A_63 : vector<1000x128xf32>
    %logistic3A_65 = arith.constant 1.000000e+00 : f32
    %logistic3A_66 = vector.broadcast %logistic3A_65 : f32 to vector<1000x128xf32>
    %logistic3A_67 = arith.addf %logistic3A_66, %logistic3A_64 : vector<1000x128xf32>
    %logistic3A_68 = arith.divf %logistic3A_66, %logistic3A_67 : vector<1000x128xf32>
    %slice3A_69 = vector.extract_strided_slice %add3A_42 {offsets = [0, 256], sizes = [1000, 128], strides = [1, 1]} : vector<1000x384xf32> to vector<1000x128xf32>
    %slice3A_70 = vector.extract_strided_slice %add3A_52 {offsets = [0, 256], sizes = [1000, 128], strides = [1, 1]} : vector<1000x384xf32> to vector<1000x128xf32>
    %mul3A = arith.mulf %logistic3A_59, %slice3A_70 : vector<1000x128xf32>
    %add3A_71 = arith.addf %slice3A_69, %mul3A : vector<1000x128xf32>
    %tanh3A = math.tanh %add3A_71 : vector<1000x128xf32>
    %sub3A = arith.constant 1.000000e+00 : f32
    %sub3A_72 = vector.broadcast %sub3A : f32 to vector<1000x128xf32>
    %sub3A_73 = arith.subf %sub3A_72, %logistic3A_68 : vector<1000x128xf32>
    %mul3A_74 = arith.mulf %sub3A_73, %tanh3A : vector<1000x128xf32>
    %mul3A_75 = arith.mulf %logistic3A_68, %get3A_1 : vector<1000x128xf32>
    %add3A_76 = arith.addf %mul3A_74, %mul3A_75 : vector<1000x128xf32>
    %swap3A = arith.constant 0 : index
    %swap3A_77 = arith.constant 0 : index
    %swap3A_78 = vector.load %arg12[%swap3A, %swap3A_77] : memref<1000x128xf32, #tpu.memory_space<vmem>>, vector<1000x128xf32>
    tpu.vector_store %arg12[%swap3A, %swap3A_77], %add3A_76 {strides = array<i32>} : memref<1000x128xf32, #tpu.memory_space<vmem>>, vector<1000x128xf32>,
    return
  }
  func.func @transform_0(%arg0: i32) -> (i32, i32) {
    %c0_i32 = arith.constant 0 : i32
    %c0_i32_0 = arith.constant 0 : i32
    return %arg0, %c0_i32 : i32, i32
  }
  func.func @transform_1(%arg0: i32) -> (i32, i32) {
    %c0_i32 = arith.constant 0 : i32
    %c0_i32_0 = arith.constant 0 : i32
    return %arg0, %c0_i32 : i32, i32
  }
  func.func @transform_2(%arg0: i32) -> (i32, i32) {
    %c0_i32 = arith.constant 0 : i32
    %c0_i32_0 = arith.constant 0 : i32
    return %arg0, %c0_i32 : i32, i32
  }
  func.func @transform_3(%arg0: i32) -> (i32, i32) {
    %c0_i32 = arith.constant 0 : i32
    %c0_i32_0 = arith.constant 0 : i32
    %c0_i32_1 = arith.constant 0 : i32
    return %c0_i32, %c0_i32_0 : i32, i32
  }
  func.func @transform_4(%arg0: i32) -> (i32, i32) {
    %c0_i32 = arith.constant 0 : i32
    %c0_i32_0 = arith.constant 0 : i32
    %c0_i32_1 = arith.constant 0 : i32
    return %c0_i32, %c0_i32_0 : i32, i32
  }
  func.func @transform_5(%arg0: i32) -> (i32, i32) {
    %c0_i32 = arith.constant 0 : i32
    %c0_i32_0 = arith.constant 0 : i32
    %c0_i32_1 = arith.constant 0 : i32
    return %c0_i32, %c0_i32_0 : i32, i32
  }
  func.func @transform_6(%arg0: i32) -> (i32, i32) {
    %c0_i32 = arith.constant 0 : i32
    %c0_i32_0 = arith.constant 0 : i32
    %c0_i32_1 = arith.constant 0 : i32
    return %c0_i32, %c0_i32_0 : i32, i32
  }
  func.func @transform_7(%arg0: i32) -> (i32, i32) {
    %c0_i32 = arith.constant 0 : i32
    %c0_i32_0 = arith.constant 0 : i32
    %c0_i32_1 = arith.constant 0 : i32
    return %c0_i32, %c0_i32_0 : i32, i32
  }
  func.func @transform_8(%arg0: i32) -> (i32, i32) {
    %c0_i32 = arith.constant 0 : i32
    %c0_i32_0 = arith.constant 0 : i32
    %c0_i32_1 = arith.constant 0 : i32
    return %c0_i32, %c0_i32_0 : i32, i32
  }
  func.func @transform_9(%arg0: i32) -> (i32, i32) {
    %c0_i32 = arith.constant 0 : i32
    %c0_i32_0 = arith.constant 0 : i32
    %c0_i32_1 = arith.constant 0 : i32
    return %c0_i32, %c0_i32_0 : i32, i32
  }
  func.func @transform_10(%arg0: i32) -> (i32, i32) {
    %c0_i32 = arith.constant 0 : i32
    %c0_i32_0 = arith.constant 0 : i32
    %c0_i32_1 = arith.constant 0 : i32
    return %c0_i32, %c0_i32_0 : i32, i32
  }
  func.func @transform_11(%arg0: i32) -> (i32, i32) {
    %c0_i32 = arith.constant 0 : i32
    %c0_i32_0 = arith.constant 0 : i32
    return %arg0, %c0_i32 : i32, i32
  }
}

module attributes {stable_mosaic.version = 14 : i64} {
  func.func @body(%arg0: memref<10000x128xf32, #tpu.memory_space<vmem>>, %arg1: memref<1x10000xi32, #tpu.memory_space<vmem>>, %arg2: memref<256x512xf32, #tpu.memory_space<vmem>>, %arg3: memref<128x512xf32, #tpu.memory_space<vmem>>, %arg4: memref<1x512xf32, #tpu.memory_space<vmem>>, %arg5: memref<1x512xf32, #tpu.memory_space<vmem>>, %arg6: memref<64x256xf32, #tpu.memory_space<vmem>>) attributes {dimension_semantics = [], scalar_prefetch = 0 : i64, scratch_operands = 0 : i64, tpu.core_type = #tpu.core_type<tc>} {
    %get3A = arith.constant 0 : index
    %get3A_0 = arith.constant 0 : index
    %get3A_1 = vector.load %arg0[%get3A, %get3A_0] : memref<10000x128xf32, #tpu.memory_space<vmem>>, vector<10000x128xf32>
    %get3A_2 = arith.constant 0 : index
    %get3A_3 = arith.constant 0 : index
    %get3A_4 = vector.load %arg1[%get3A_2, %get3A_3] : memref<1x10000xi32, #tpu.memory_space<vmem>>, vector<1x10000xi32>
    %iota3A = tpu.iota {dimensions = array<i32: 0>} : vector<64x10000xi32>
    %eq3A = vector.broadcast %get3A_4 : vector<1x10000xi32> to vector<64x10000xi32>
    %eq3A_5 = arith.cmpi eq, %iota3A, %eq3A : vector<64x10000xi32>
    %broadcast_in_dim3A = arith.constant 0.000000e+00 : f32
    %broadcast_in_dim3A_6 = vector.broadcast %broadcast_in_dim3A : f32 to vector<64x128xf32>
    %broadcast_in_dim3A_7 = arith.constant 0.000000e+00 : f32
    %broadcast_in_dim3A_8 = vector.broadcast %broadcast_in_dim3A_7 : f32 to vector<64x128xf32>
    %broadcast_in_dim3A_9 = arith.constant 0.000000e+00 : f32
    %broadcast_in_dim3A_10 = vector.broadcast %broadcast_in_dim3A_9 : f32 to vector<64x256xf32>
    %get3A_11 = arith.constant 0 : index
    %get3A_12 = arith.constant 0 : index
    %get3A_13 = vector.load %arg2[%get3A_11, %get3A_12] : memref<256x512xf32, #tpu.memory_space<vmem>>, vector<256x512xf32>
    %dot_general3A = arith.constant dense<0.000000e+00> : vector<64x512xf32>
    %dot_general3A_14 = tpu.matmul %broadcast_in_dim3A_10, %get3A_13, %dot_general3A {dimension_numbers = #tpu.dot_dimension_numbers<[1], [0], [0], [1], [0, 0, 1, 1], [], []>, transpose_lhs_hint = false} : vector<64x256xf32>, vector<256x512xf32>, vector<64x512xf32> -> vector<64x512xf32>
    %get3A_15 = arith.constant 0 : index
    %get3A_16 = arith.constant 0 : index
    %get3A_17 = vector.load %arg4[%get3A_15, %get3A_16] : memref<1x512xf32, #tpu.memory_space<vmem>>, vector<1x512xf32>
    %add3A = vector.broadcast %get3A_17 : vector<1x512xf32> to vector<64x512xf32>
    %add3A_18 = arith.addf %dot_general3A_14, %add3A : vector<64x512xf32>
    %get3A_19 = arith.constant 0 : index
    %get3A_20 = arith.constant 0 : index
    %get3A_21 = vector.load %arg3[%get3A_19, %get3A_20] : memref<128x512xf32, #tpu.memory_space<vmem>>, vector<128x512xf32>
    %dot_general3A_22 = arith.constant dense<0.000000e+00> : vector<64x512xf32>
    %dot_general3A_23 = tpu.matmul %broadcast_in_dim3A_6, %get3A_21, %dot_general3A_22 {dimension_numbers = #tpu.dot_dimension_numbers<[1], [0], [0], [1], [0, 0, 1, 1], [], []>, transpose_lhs_hint = false} : vector<64x128xf32>, vector<128x512xf32>, vector<64x512xf32> -> vector<64x512xf32>
    %add3A_24 = arith.addf %add3A_18, %dot_general3A_23 : vector<64x512xf32>
    %get3A_25 = arith.constant 0 : index
    %get3A_26 = arith.constant 0 : index
    %get3A_27 = vector.load %arg5[%get3A_25, %get3A_26] : memref<1x512xf32, #tpu.memory_space<vmem>>, vector<1x512xf32>
    %add3A_28 = vector.broadcast %get3A_27 : vector<1x512xf32> to vector<64x512xf32>
    %add3A_29 = arith.addf %add3A_24, %add3A_28 : vector<64x512xf32>
    %slice3A = vector.extract_strided_slice %add3A_29 {offsets = [0, 0], sizes = [64, 128], strides = [1, 1]} : vector<64x512xf32> to vector<64x128xf32>
    %logistic3A = arith.negf %slice3A : vector<64x128xf32>
    %logistic3A_30 = math.exp %logistic3A : vector<64x128xf32>
    %logistic3A_31 = arith.constant 1.000000e+00 : f32
    %logistic3A_32 = vector.broadcast %logistic3A_31 : f32 to vector<64x128xf32>
    %logistic3A_33 = arith.addf %logistic3A_32, %logistic3A_30 : vector<64x128xf32>
    %logistic3A_34 = arith.divf %logistic3A_32, %logistic3A_33 : vector<64x128xf32>
    %slice3A_35 = vector.extract_strided_slice %add3A_29 {offsets = [0, 128], sizes = [64, 128], strides = [1, 1]} : vector<64x512xf32> to vector<64x128xf32>
    %logistic3A_36 = arith.negf %slice3A_35 : vector<64x128xf32>
    %logistic3A_37 = math.exp %logistic3A_36 : vector<64x128xf32>
    %logistic3A_38 = arith.constant 1.000000e+00 : f32
    %logistic3A_39 = vector.broadcast %logistic3A_38 : f32 to vector<64x128xf32>
    %logistic3A_40 = arith.addf %logistic3A_39, %logistic3A_37 : vector<64x128xf32>
    %logistic3A_41 = arith.divf %logistic3A_39, %logistic3A_40 : vector<64x128xf32>
    %slice3A_42 = vector.extract_strided_slice %add3A_29 {offsets = [0, 256], sizes = [64, 128], strides = [1, 1]} : vector<64x512xf32> to vector<64x128xf32>
    %tanh3A = math.tanh %slice3A_42 : vector<64x128xf32>
    %slice3A_43 = vector.extract_strided_slice %add3A_29 {offsets = [0, 384], sizes = [64, 128], strides = [1, 1]} : vector<64x512xf32> to vector<64x128xf32>
    %logistic3A_44 = arith.negf %slice3A_43 : vector<64x128xf32>
    %logistic3A_45 = math.exp %logistic3A_44 : vector<64x128xf32>
    %logistic3A_46 = arith.constant 1.000000e+00 : f32
    %logistic3A_47 = vector.broadcast %logistic3A_46 : f32 to vector<64x128xf32>
    %logistic3A_48 = arith.addf %logistic3A_47, %logistic3A_45 : vector<64x128xf32>
    %logistic3A_49 = arith.divf %logistic3A_47, %logistic3A_48 : vector<64x128xf32>
    %mul3A = arith.mulf %logistic3A_41, %broadcast_in_dim3A_8 : vector<64x128xf32>
    %mul3A_50 = arith.mulf %logistic3A_34, %tanh3A : vector<64x128xf32>
    %add3A_51 = arith.addf %mul3A, %mul3A_50 : vector<64x128xf32>
    %tanh3A_52 = math.tanh %add3A_51 : vector<64x128xf32>
    %mul3A_53 = arith.mulf %logistic3A_49, %tanh3A_52 : vector<64x128xf32>
    %dot_general3A_54 = arith.constant dense<0.000000e+00> : vector<64x10000xf32>
    %dot_general3A_55 = tpu.matmul %mul3A_53, %get3A_1, %dot_general3A_54 {dimension_numbers = #tpu.dot_dimension_numbers<[1], [1], [0], [0], [0, 0, 1, 0], [], []>, transpose_lhs_hint = false} : vector<64x128xf32>, vector<10000x128xf32>, vector<64x10000xf32> -> vector<64x10000xf32>
    %jit3A = arith.constant -1.000000e+30 : f32
    %broadcast_in_dim3A_56 = vector.broadcast %jit3A : f32 to vector<64x10000xf32>
    %select_n3A = arith.select %eq3A_5, %dot_general3A_55, %broadcast_in_dim3A_56 : vector<64x10000xi1>, vector<64x10000xf32>
    %reduce_max3A = arith.constant dense<0xFF800000> : vector<64xf32>
    %reduce_max3A_57 = vector.multi_reduction <maximumf>, %select_n3A, %reduce_max3A [1] : vector<64x10000xf32> to vector<64xf32>
    %broadcast_in_dim3A_58 = vector.shape_cast %reduce_max3A_57 : vector<64xf32> to vector<64x1xf32>
    %gt3A = arith.constant -1.000000e+29 : f32
    %gt3A_59 = vector.broadcast %gt3A : f32 to vector<64x1xf32>
    %gt3A_60 = arith.cmpf ogt, %broadcast_in_dim3A_58, %gt3A_59 : vector<64x1xf32>
    %jit3A_61 = arith.constant 0.000000e+00 : f32
    %broadcast_in_dim3A_62 = vector.broadcast %jit3A_61 : f32 to vector<64x1xf32>
    %select_n3A_63 = arith.select %gt3A_60, %broadcast_in_dim3A_58, %broadcast_in_dim3A_62 : vector<64x1xi1>, vector<64x1xf32>
    %sub3A = vector.broadcast %select_n3A_63 : vector<64x1xf32> to vector<64x10000xf32>
    %sub3A_64 = arith.subf %dot_general3A_55, %sub3A : vector<64x10000xf32>
    %jit3A_65 = arith.constant -1.000000e+30 : f32
    %broadcast_in_dim3A_66 = vector.broadcast %jit3A_65 : f32 to vector<64x10000xf32>
    %select_n3A_67 = arith.select %eq3A_5, %sub3A_64, %broadcast_in_dim3A_66 : vector<64x10000xi1>, vector<64x10000xf32>
    %exp3A = math.exp %select_n3A_67 : vector<64x10000xf32>
    %reduce_sum3A = arith.constant dense<0.000000e+00> : vector<64xf32>
    %reduce_sum3A_68 = vector.multi_reduction <add>, %exp3A, %reduce_sum3A [1] : vector<64x10000xf32> to vector<64xf32>
    %broadcast_in_dim3A_69 = vector.shape_cast %reduce_sum3A_68 : vector<64xf32> to vector<64x1xf32>
    %add3A_70 = arith.constant 1.000000e-16 : f32
    %add3A_71 = vector.broadcast %add3A_70 : f32 to vector<64x1xf32>
    %add3A_72 = arith.addf %broadcast_in_dim3A_69, %add3A_71 : vector<64x1xf32>
    %div3A = vector.broadcast %add3A_72 : vector<64x1xf32> to vector<64x10000xf32>
    %div3A_73 = arith.divf %exp3A, %div3A : vector<64x10000xf32>
    %dot_general3A_74 = arith.constant dense<0.000000e+00> : vector<64x128xf32>
    %dot_general3A_75 = tpu.matmul %div3A_73, %get3A_1, %dot_general3A_74 {dimension_numbers = #tpu.dot_dimension_numbers<[1], [0], [0], [1], [0, 0, 1, 1], [], []>, transpose_lhs_hint = false} : vector<64x10000xf32>, vector<10000x128xf32>, vector<64x128xf32> -> vector<64x128xf32>
    %concatenate3A = tpu.concatenate %mul3A_53, %dot_general3A_75 in 1 : vector<64x128xf32>, vector<64x128xf32> -> vector<64x256xf32>
    %get3A_76 = arith.constant 0 : index
    %get3A_77 = arith.constant 0 : index
    %get3A_78 = vector.load %arg2[%get3A_76, %get3A_77] : memref<256x512xf32, #tpu.memory_space<vmem>>, vector<256x512xf32>
    %dot_general3A_79 = arith.constant dense<0.000000e+00> : vector<64x512xf32>
    %dot_general3A_80 = tpu.matmul %concatenate3A, %get3A_78, %dot_general3A_79 {dimension_numbers = #tpu.dot_dimension_numbers<[1], [0], [0], [1], [0, 0, 1, 1], [], []>, transpose_lhs_hint = false} : vector<64x256xf32>, vector<256x512xf32>, vector<64x512xf32> -> vector<64x512xf32>
    %get3A_81 = arith.constant 0 : index
    %get3A_82 = arith.constant 0 : index
    %get3A_83 = vector.load %arg4[%get3A_81, %get3A_82] : memref<1x512xf32, #tpu.memory_space<vmem>>, vector<1x512xf32>
    %add3A_84 = vector.broadcast %get3A_83 : vector<1x512xf32> to vector<64x512xf32>
    %add3A_85 = arith.addf %dot_general3A_80, %add3A_84 : vector<64x512xf32>
    %get3A_86 = arith.constant 0 : index
    %get3A_87 = arith.constant 0 : index
    %get3A_88 = vector.load %arg3[%get3A_86, %get3A_87] : memref<128x512xf32, #tpu.memory_space<vmem>>, vector<128x512xf32>
    %dot_general3A_89 = arith.constant dense<0.000000e+00> : vector<64x512xf32>
    %dot_general3A_90 = tpu.matmul %mul3A_53, %get3A_88, %dot_general3A_89 {dimension_numbers = #tpu.dot_dimension_numbers<[1], [0], [0], [1], [0, 0, 1, 1], [], []>, transpose_lhs_hint = false} : vector<64x128xf32>, vector<128x512xf32>, vector<64x512xf32> -> vector<64x512xf32>
    %add3A_91 = arith.addf %add3A_85, %dot_general3A_90 : vector<64x512xf32>
    %get3A_92 = arith.constant 0 : index
    %get3A_93 = arith.constant 0 : index
    %get3A_94 = vector.load %arg5[%get3A_92, %get3A_93] : memref<1x512xf32, #tpu.memory_space<vmem>>, vector<1x512xf32>
    %add3A_95 = vector.broadcast %get3A_94 : vector<1x512xf32> to vector<64x512xf32>
    %add3A_96 = arith.addf %add3A_91, %add3A_95 : vector<64x512xf32>
    %slice3A_97 = vector.extract_strided_slice %add3A_96 {offsets = [0, 0], sizes = [64, 128], strides = [1, 1]} : vector<64x512xf32> to vector<64x128xf32>
    %logistic3A_98 = arith.negf %slice3A_97 : vector<64x128xf32>
    %logistic3A_99 = math.exp %logistic3A_98 : vector<64x128xf32>
    %logistic3A_100 = arith.constant 1.000000e+00 : f32
    %logistic3A_101 = vector.broadcast %logistic3A_100 : f32 to vector<64x128xf32>
    %logistic3A_102 = arith.addf %logistic3A_101, %logistic3A_99 : vector<64x128xf32>
    %logistic3A_103 = arith.divf %logistic3A_101, %logistic3A_102 : vector<64x128xf32>
    %slice3A_104 = vector.extract_strided_slice %add3A_96 {offsets = [0, 128], sizes = [64, 128], strides = [1, 1]} : vector<64x512xf32> to vector<64x128xf32>
    %logistic3A_105 = arith.negf %slice3A_104 : vector<64x128xf32>
    %logistic3A_106 = math.exp %logistic3A_105 : vector<64x128xf32>
    %logistic3A_107 = arith.constant 1.000000e+00 : f32
    %logistic3A_108 = vector.broadcast %logistic3A_107 : f32 to vector<64x128xf32>
    %logistic3A_109 = arith.addf %logistic3A_108, %logistic3A_106 : vector<64x128xf32>
    %logistic3A_110 = arith.divf %logistic3A_108, %logistic3A_109 : vector<64x128xf32>
    %slice3A_111 = vector.extract_strided_slice %add3A_96 {offsets = [0, 256], sizes = [64, 128], strides = [1, 1]} : vector<64x512xf32> to vector<64x128xf32>
    %tanh3A_112 = math.tanh %slice3A_111 : vector<64x128xf32>
    %slice3A_113 = vector.extract_strided_slice %add3A_96 {offsets = [0, 384], sizes = [64, 128], strides = [1, 1]} : vector<64x512xf32> to vector<64x128xf32>
    %logistic3A_114 = arith.negf %slice3A_113 : vector<64x128xf32>
    %logistic3A_115 = math.exp %logistic3A_114 : vector<64x128xf32>
    %logistic3A_116 = arith.constant 1.000000e+00 : f32
    %logistic3A_117 = vector.broadcast %logistic3A_116 : f32 to vector<64x128xf32>
    %logistic3A_118 = arith.addf %logistic3A_117, %logistic3A_115 : vector<64x128xf32>
    %logistic3A_119 = arith.divf %logistic3A_117, %logistic3A_118 : vector<64x128xf32>
    %mul3A_120 = arith.mulf %logistic3A_110, %add3A_51 : vector<64x128xf32>
    %mul3A_121 = arith.mulf %logistic3A_103, %tanh3A_112 : vector<64x128xf32>
    %add3A_122 = arith.addf %mul3A_120, %mul3A_121 : vector<64x128xf32>
    %tanh3A_123 = math.tanh %add3A_122 : vector<64x128xf32>
    %mul3A_124 = arith.mulf %logistic3A_119, %tanh3A_123 : vector<64x128xf32>
    %dot_general3A_125 = arith.constant dense<0.000000e+00> : vector<64x10000xf32>
    %dot_general3A_126 = tpu.matmul %mul3A_124, %get3A_1, %dot_general3A_125 {dimension_numbers = #tpu.dot_dimension_numbers<[1], [1], [0], [0], [0, 0, 1, 0], [], []>, transpose_lhs_hint = false} : vector<64x128xf32>, vector<10000x128xf32>, vector<64x10000xf32> -> vector<64x10000xf32>
    %jit3A_127 = arith.constant -1.000000e+30 : f32
    %broadcast_in_dim3A_128 = vector.broadcast %jit3A_127 : f32 to vector<64x10000xf32>
    %select_n3A_129 = arith.select %eq3A_5, %dot_general3A_126, %broadcast_in_dim3A_128 : vector<64x10000xi1>, vector<64x10000xf32>
    %reduce_max3A_130 = arith.constant dense<0xFF800000> : vector<64xf32>
    %reduce_max3A_131 = vector.multi_reduction <maximumf>, %select_n3A_129, %reduce_max3A_130 [1] : vector<64x10000xf32> to vector<64xf32>
    %broadcast_in_dim3A_132 = vector.shape_cast %reduce_max3A_131 : vector<64xf32> to vector<64x1xf32>
    %gt3A_133 = arith.constant -1.000000e+29 : f32
    %gt3A_134 = vector.broadcast %gt3A_133 : f32 to vector<64x1xf32>
    %gt3A_135 = arith.cmpf ogt, %broadcast_in_dim3A_132, %gt3A_134 : vector<64x1xf32>
    %jit3A_136 = arith.constant 0.000000e+00 : f32
    %broadcast_in_dim3A_137 = vector.broadcast %jit3A_136 : f32 to vector<64x1xf32>
    %select_n3A_138 = arith.select %gt3A_135, %broadcast_in_dim3A_132, %broadcast_in_dim3A_137 : vector<64x1xi1>, vector<64x1xf32>
    %sub3A_139 = vector.broadcast %select_n3A_138 : vector<64x1xf32> to vector<64x10000xf32>
    %sub3A_140 = arith.subf %dot_general3A_126, %sub3A_139 : vector<64x10000xf32>
    %jit3A_141 = arith.constant -1.000000e+30 : f32
    %broadcast_in_dim3A_142 = vector.broadcast %jit3A_141 : f32 to vector<64x10000xf32>
    %select_n3A_143 = arith.select %eq3A_5, %sub3A_140, %broadcast_in_dim3A_142 : vector<64x10000xi1>, vector<64x10000xf32>
    %exp3A_144 = math.exp %select_n3A_143 : vector<64x10000xf32>
    %reduce_sum3A_145 = arith.constant dense<0.000000e+00> : vector<64xf32>
    %reduce_sum3A_146 = vector.multi_reduction <add>, %exp3A_144, %reduce_sum3A_145 [1] : vector<64x10000xf32> to vector<64xf32>
    %broadcast_in_dim3A_147 = vector.shape_cast %reduce_sum3A_146 : vector<64xf32> to vector<64x1xf32>
    %add3A_148 = arith.constant 1.000000e-16 : f32
    %add3A_149 = vector.broadcast %add3A_148 : f32 to vector<64x1xf32>
    %add3A_150 = arith.addf %broadcast_in_dim3A_147, %add3A_149 : vector<64x1xf32>
    %div3A_151 = vector.broadcast %add3A_150 : vector<64x1xf32> to vector<64x10000xf32>
    %div3A_152 = arith.divf %exp3A_144, %div3A_151 : vector<64x10000xf32>
    %dot_general3A_153 = arith.constant dense<0.000000e+00> : vector<64x128xf32>
    %dot_general3A_154 = tpu.matmul %div3A_152, %get3A_1, %dot_general3A_153 {dimension_numbers = #tpu.dot_dimension_numbers<[1], [0], [0], [1], [0, 0, 1, 1], [], []>, transpose_lhs_hint = false} : vector<64x10000xf32>, vector<10000x128xf32>, vector<64x128xf32> -> vector<64x128xf32>
    %concatenate3A_155 = tpu.concatenate %mul3A_124, %dot_general3A_154 in 1 : vector<64x128xf32>, vector<64x128xf32> -> vector<64x256xf32>
    %get3A_156 = arith.constant 0 : index
    %get3A_157 = arith.constant 0 : index
    %get3A_158 = vector.load %arg2[%get3A_156, %get3A_157] : memref<256x512xf32, #tpu.memory_space<vmem>>, vector<256x512xf32>
    %dot_general3A_159 = arith.constant dense<0.000000e+00> : vector<64x512xf32>
    %dot_general3A_160 = tpu.matmul %concatenate3A_155, %get3A_158, %dot_general3A_159 {dimension_numbers = #tpu.dot_dimension_numbers<[1], [0], [0], [1], [0, 0, 1, 1], [], []>, transpose_lhs_hint = false} : vector<64x256xf32>, vector<256x512xf32>, vector<64x512xf32> -> vector<64x512xf32>
    %get3A_161 = arith.constant 0 : index
    %get3A_162 = arith.constant 0 : index
    %get3A_163 = vector.load %arg4[%get3A_161, %get3A_162] : memref<1x512xf32, #tpu.memory_space<vmem>>, vector<1x512xf32>
    %add3A_164 = vector.broadcast %get3A_163 : vector<1x512xf32> to vector<64x512xf32>
    %add3A_165 = arith.addf %dot_general3A_160, %add3A_164 : vector<64x512xf32>
    %get3A_166 = arith.constant 0 : index
    %get3A_167 = arith.constant 0 : index
    %get3A_168 = vector.load %arg3[%get3A_166, %get3A_167] : memref<128x512xf32, #tpu.memory_space<vmem>>, vector<128x512xf32>
    %dot_general3A_169 = arith.constant dense<0.000000e+00> : vector<64x512xf32>
    %dot_general3A_170 = tpu.matmul %mul3A_124, %get3A_168, %dot_general3A_169 {dimension_numbers = #tpu.dot_dimension_numbers<[1], [0], [0], [1], [0, 0, 1, 1], [], []>, transpose_lhs_hint = false} : vector<64x128xf32>, vector<128x512xf32>, vector<64x512xf32> -> vector<64x512xf32>
    %add3A_171 = arith.addf %add3A_165, %dot_general3A_170 : vector<64x512xf32>
    %get3A_172 = arith.constant 0 : index
    %get3A_173 = arith.constant 0 : index
    %get3A_174 = vector.load %arg5[%get3A_172, %get3A_173] : memref<1x512xf32, #tpu.memory_space<vmem>>, vector<1x512xf32>
    %add3A_175 = vector.broadcast %get3A_174 : vector<1x512xf32> to vector<64x512xf32>
    %add3A_176 = arith.addf %add3A_171, %add3A_175 : vector<64x512xf32>
    %slice3A_177 = vector.extract_strided_slice %add3A_176 {offsets = [0, 0], sizes = [64, 128], strides = [1, 1]} : vector<64x512xf32> to vector<64x128xf32>
    %logistic3A_178 = arith.negf %slice3A_177 : vector<64x128xf32>
    %logistic3A_179 = math.exp %logistic3A_178 : vector<64x128xf32>
    %logistic3A_180 = arith.constant 1.000000e+00 : f32
    %logistic3A_181 = vector.broadcast %logistic3A_180 : f32 to vector<64x128xf32>
    %logistic3A_182 = arith.addf %logistic3A_181, %logistic3A_179 : vector<64x128xf32>
    %logistic3A_183 = arith.divf %logistic3A_181, %logistic3A_182 : vector<64x128xf32>
    %slice3A_184 = vector.extract_strided_slice %add3A_176 {offsets = [0, 128], sizes = [64, 128], strides = [1, 1]} : vector<64x512xf32> to vector<64x128xf32>
    %logistic3A_185 = arith.negf %slice3A_184 : vector<64x128xf32>
    %logistic3A_186 = math.exp %logistic3A_185 : vector<64x128xf32>
    %logistic3A_187 = arith.constant 1.000000e+00 : f32
    %logistic3A_188 = vector.broadcast %logistic3A_187 : f32 to vector<64x128xf32>
    %logistic3A_189 = arith.addf %logistic3A_188, %logistic3A_186 : vector<64x128xf32>
    %logistic3A_190 = arith.divf %logistic3A_188, %logistic3A_189 : vector<64x128xf32>
    %slice3A_191 = vector.extract_strided_slice %add3A_176 {offsets = [0, 256], sizes = [64, 128], strides = [1, 1]} : vector<64x512xf32> to vector<64x128xf32>
    %tanh3A_192 = math.tanh %slice3A_191 : vector<64x128xf32>
    %slice3A_193 = vector.extract_strided_slice %add3A_176 {offsets = [0, 384], sizes = [64, 128], strides = [1, 1]} : vector<64x512xf32> to vector<64x128xf32>
    %logistic3A_194 = arith.negf %slice3A_193 : vector<64x128xf32>
    %logistic3A_195 = math.exp %logistic3A_194 : vector<64x128xf32>
    %logistic3A_196 = arith.constant 1.000000e+00 : f32
    %logistic3A_197 = vector.broadcast %logistic3A_196 : f32 to vector<64x128xf32>
    %logistic3A_198 = arith.addf %logistic3A_197, %logistic3A_195 : vector<64x128xf32>
    %logistic3A_199 = arith.divf %logistic3A_197, %logistic3A_198 : vector<64x128xf32>
    %mul3A_200 = arith.mulf %logistic3A_190, %add3A_122 : vector<64x128xf32>
    %mul3A_201 = arith.mulf %logistic3A_183, %tanh3A_192 : vector<64x128xf32>
    %add3A_202 = arith.addf %mul3A_200, %mul3A_201 : vector<64x128xf32>
    %tanh3A_203 = math.tanh %add3A_202 : vector<64x128xf32>
    %mul3A_204 = arith.mulf %logistic3A_199, %tanh3A_203 : vector<64x128xf32>
    %dot_general3A_205 = arith.constant dense<0.000000e+00> : vector<64x10000xf32>
    %dot_general3A_206 = tpu.matmul %mul3A_204, %get3A_1, %dot_general3A_205 {dimension_numbers = #tpu.dot_dimension_numbers<[1], [1], [0], [0], [0, 0, 1, 0], [], []>, transpose_lhs_hint = false} : vector<64x128xf32>, vector<10000x128xf32>, vector<64x10000xf32> -> vector<64x10000xf32>
    %jit3A_207 = arith.constant -1.000000e+30 : f32
    %broadcast_in_dim3A_208 = vector.broadcast %jit3A_207 : f32 to vector<64x10000xf32>
    %select_n3A_209 = arith.select %eq3A_5, %dot_general3A_206, %broadcast_in_dim3A_208 : vector<64x10000xi1>, vector<64x10000xf32>
    %reduce_max3A_210 = arith.constant dense<0xFF800000> : vector<64xf32>
    %reduce_max3A_211 = vector.multi_reduction <maximumf>, %select_n3A_209, %reduce_max3A_210 [1] : vector<64x10000xf32> to vector<64xf32>
    %broadcast_in_dim3A_212 = vector.shape_cast %reduce_max3A_211 : vector<64xf32> to vector<64x1xf32>
    %gt3A_213 = arith.constant -1.000000e+29 : f32
    %gt3A_214 = vector.broadcast %gt3A_213 : f32 to vector<64x1xf32>
    %gt3A_215 = arith.cmpf ogt, %broadcast_in_dim3A_212, %gt3A_214 : vector<64x1xf32>
    %jit3A_216 = arith.constant 0.000000e+00 : f32
    %broadcast_in_dim3A_217 = vector.broadcast %jit3A_216 : f32 to vector<64x1xf32>
    %select_n3A_218 = arith.select %gt3A_215, %broadcast_in_dim3A_212, %broadcast_in_dim3A_217 : vector<64x1xi1>, vector<64x1xf32>
    %sub3A_219 = vector.broadcast %select_n3A_218 : vector<64x1xf32> to vector<64x10000xf32>
    %sub3A_220 = arith.subf %dot_general3A_206, %sub3A_219 : vector<64x10000xf32>
    %jit3A_221 = arith.constant -1.000000e+30 : f32
    %broadcast_in_dim3A_222 = vector.broadcast %jit3A_221 : f32 to vector<64x10000xf32>
    %select_n3A_223 = arith.select %eq3A_5, %sub3A_220, %broadcast_in_dim3A_222 : vector<64x10000xi1>, vector<64x10000xf32>
    %exp3A_224 = math.exp %select_n3A_223 : vector<64x10000xf32>
    %reduce_sum3A_225 = arith.constant dense<0.000000e+00> : vector<64xf32>
    %reduce_sum3A_226 = vector.multi_reduction <add>, %exp3A_224, %reduce_sum3A_225 [1] : vector<64x10000xf32> to vector<64xf32>
    %broadcast_in_dim3A_227 = vector.shape_cast %reduce_sum3A_226 : vector<64xf32> to vector<64x1xf32>
    %add3A_228 = arith.constant 1.000000e-16 : f32
    %add3A_229 = vector.broadcast %add3A_228 : f32 to vector<64x1xf32>
    %add3A_230 = arith.addf %broadcast_in_dim3A_227, %add3A_229 : vector<64x1xf32>
    %div3A_231 = vector.broadcast %add3A_230 : vector<64x1xf32> to vector<64x10000xf32>
    %div3A_232 = arith.divf %exp3A_224, %div3A_231 : vector<64x10000xf32>
    %dot_general3A_233 = arith.constant dense<0.000000e+00> : vector<64x128xf32>
    %dot_general3A_234 = tpu.matmul %div3A_232, %get3A_1, %dot_general3A_233 {dimension_numbers = #tpu.dot_dimension_numbers<[1], [0], [0], [1], [0, 0, 1, 1], [], []>, transpose_lhs_hint = false} : vector<64x10000xf32>, vector<10000x128xf32>, vector<64x128xf32> -> vector<64x128xf32>
    %concatenate3A_235 = tpu.concatenate %mul3A_204, %dot_general3A_234 in 1 : vector<64x128xf32>, vector<64x128xf32> -> vector<64x256xf32>
    %swap3A = arith.constant 0 : index
    %swap3A_236 = arith.constant 0 : index
    %swap3A_237 = vector.load %arg6[%swap3A, %swap3A_236] : memref<64x256xf32, #tpu.memory_space<vmem>>, vector<64x256xf32>
    tpu.vector_store %arg6[%swap3A, %swap3A_236], %concatenate3A_235 {strides = array<i32>} : memref<64x256xf32, #tpu.memory_space<vmem>>, vector<64x256xf32>,
    return
  }
}

</mosaic_0001>

<sc_bundles>
// kernel: kernel.10.cloned.1.call-start
scs
__scs_entry_jumppad:
0x0: {  	(pc) =	sbr.rel $0x88, $3  }
0x1: {  	(tag) =	ssettag $0x0;
	lr =	simm.s32 $0x1  }
0x2: {  	[smem:$0x3F90] =	sst lr;
	_ =	strace $0xD0000000  }
0x3: {  	_ = 	snop  }
0x4: {  	_ = 	snop  }
0x5: {  	_ = 	snop  }
0x6: {  	_ = 	snop  }
0x7: {  	_ = 	snop  }
__scs_overlays_trampoline_lowered:
0x8: {  	[smem:$0x3F9F] =	sst s0  }
0x9: {  	[smem:$0x3FA0] =	sst s1  }
0xa: {  	[smem:$0x3FA1] =	sst s2  }
0xb: {  	[smem:$0x3FA2] =	sst s3  }
0xc: {  	[smem:$0x3FA3] =	sst s4  }
0xd: {  	[smem:$0x3FA4] =	sst s5  }
0xe: {  	[smem:$0x3FA5] =	sst s6  }
0xf: {  	[smem:$0x3FA6] =	sst s7  }
0x10: {  	[smem:$0x3FA7] =	sst s8  }
0x11: {  	[smem:$0x3FA8] =	sst s9;
	s0 =	simm.s32 @!p0 $0x0  }
0x12: {  	s1 =	sld [smem:$0x3F8E];
	s0 =	simm.s32 @p0 $0x1  }
0x13: {  	[smem:$0x3FA9] =	sst s0;
	s0 =	simm.s32 @!p1 $0x0  }
0x14: {  	s2 =	sld [smem:$0x3F8D];
	s0 =	simm.s32 @p1 $0x1  }
0x15: {  	[smem:$0x3FAA] =	sst s0;
	s0 =	simm.s32 @!p2 $0x0  }
0x16: {  	s3 =	sld [smem:$0x3FDB];
	s0 =	simm.s32 @p2 $0x1  }
0x17: {  	s4 =	simm.s32 $0x1BF5;
	[smem:$0x3FAC] =	sst s0  }
0x18: {  	s0 =	sld [smem:$0x3F8F];
	_ =	swait.ge [sflag:s4], $0x0  }
0x19: {  	s7 =	sld [smem:$0x3F90]  }
0x1a: {  	s8 =	sadd.s32 $0xFFFFE003, lr  }
0x1b: {  	s9 =	sadd.s32 $0xFFFFFEF7, lr;
	s5 =	simm.s32 $0xFFFFFFFF;
	p2 =	slt.u32 s8, $0xFFFFF086  }
0x1c: {  	p1 =	slt.u32 s9, $0xF7A;
	s5 =	simm.s32 @!p2 $0x0  }
0x1d: {  	s5 =	simm.s32 @p1 $0x1;
	p0 =	seq.s32 s7, s2  }
0x1e: {  	s7 =	smul.u32 @!p0 $0xF7A, s2;
	p2 =	seq.s32 @!p0 s5, $0x0  }
0x1f: {  	s9 =	smul.u32 $0xF7A, s1;
	s8 =	simm.s32 @!p0 $0x1BF5;
	p2 =	por !p2, p0  }
0x20: {  	[sflag:s8] =	ssyncset.s32 @!p0 $0xFFFFF086;
	s6 =	sadd.s32 @!p0 s3, s7;
	s7 =	simm.s32 @!p0 $0x108  }
0x21: {  	s3 =	sadd.s32 s3, s9;
	s6 =	sadd.s32 @!p0 $0x88, s6;
	s7 =	simm.s32 @p2 $0x1082  }
0x22: {  	[simem:s7], [sflag:s8] =	dma.local @!p0 [hbm:s6], $0xF7A  }
0x23: {  	s9 =	sor.u32 $0xD0000000, s2;
	s6 =	simm.s32 $0x108;
	_ =	swait.ge @!p0 [sflag:s8], $0x0  }
0x24: {  	s3 =	sadd.s32 $0x88, s3;
	s6 =	simm.s32 @!p1 $0x1082;
	[sflag:s4] =	ssyncset.s32 $0xFFFFF086  }
0x25: {  	[simem:s6], [sflag:s4] =	dma.local [hbm:s3], $0xF7A  }
0x26: {  	[smem:$0x3F90] =	sst s1;
	(tag) =	ssettag s2;
	_ =	strace s9  }
0x27: {  	s1 =	sld [smem:$0x3FA0]  }
0x28: {  	s2 =	sld [smem:$0x3FA1]  }
0x29: {  	s4 =	sld [smem:$0x3FA3]  }
0x2a: {  	p0 =	seq.s32 s5, $0x0;
	s5 =	sld [smem:$0x3FA4]  }
0x2b: {  	s6 =	sld [smem:$0x3FA5]  }
0x2c: {  	s7 =	sld [smem:$0x3FA6]  }
0x2d: {  	s3 =	simm.s32 $0x108;
	s8 =	sld [smem:$0x3FA7]  }
0x2e: {  	s3 =	simm.s32 @!p0 $0x1082;
	s9 =	sld [smem:$0x3FA8]  }
0x2f: {  	lr =	sadd.s32 s0, s3;
	s0 =	sld [smem:$0x3F9F]  }
0x30: {  	s3 =	sld [smem:$0x3FA2]  }
0x31: {  	[smem:$0x3FAB] =	sst s10  }
0x32: {  	s10 =	sld [smem:$0x3FA9];
	_ =	sdelay $0x3  }
0x33: {  	p0 =	seq.s32 s10, $0x1;
	s10 =	sld [smem:$0x3FAB];
	_ =	sdelay $0x3  }
0x34: {  	[smem:$0x3FAB] =	sst s10  }
0x35: {  	s10 =	sld [smem:$0x3FAA];
	_ =	sdelay $0x3  }
0x36: {  	p1 =	seq.s32 s10, $0x1;
	s10 =	sld [smem:$0x3FAB];
	_ =	sdelay $0x3  }
0x37: {  	[smem:$0x3FAB] =	sst s10  }
0x38: {  	s10 =	sld [smem:$0x3FAC]  }
0x39: {  	_ = 	snop;
	(pc) =	sbr.ind lr, $3  }
0x3a: {  	_ = 	snop  }
0x3b: {  	_ = 	snop  }
0x3c: {  	p2 =	seq.s32 s10, $0x1;
	s10 =	sld [smem:$0x3FAB]  }
0x3d: {  	_ =	shalt  }
0x3e: {  	_ =	shalt  }
0x3f: {  	_ =	shalt  }
0x40: {  	_ =	shalt  }
0x41: {  	_ =	shalt  }
0x42: {  	_ =	shalt  }
0x43: {  	_ =	shalt  }
0x44: {  	_ =	shalt  }
0x45: {  	_ =	shalt  }
0x46: {  	_ =	shalt  }
0x47: {  	_ =	shalt  }
0x48: {  	_ =	shalt  }
0x49: {  	_ =	shalt  }
0x4a: {  	_ =	shalt  }
0x4b: {  	_ =	shalt  }
0x4c: {  	_ =	shalt  }
0x4d: {  	_ =	shalt  }
0x4e: {  	_ =	shalt  }
0x4f: {  	_ =	shalt  }
0x50: {  	_ =	shalt  }
0x51: {  	_ =	shalt  }
0x52: {  	_ =	shalt  }
0x53: {  	_ =	shalt  }
0x54: {  	_ =	shalt  }
0x55: {  	_ =	shalt  }
0x56: {  	_ =	shalt  }
0x57: {  	_ =	shalt  }
0x58: {  	_ =	shalt  }
0x59: {  	_ =	shalt  }
0x5a: {  	_ =	shalt  }
0x5b: {  	_ =	shalt  }
0x5c: {  	_ =	shalt  }
0x5d: {  	_ =	shalt  }
0x5e: {  	_ =	shalt  }
0x5f: {  	_ =	shalt  }
0x60: {  	_ =	shalt  }
0x61: {  	_ =	shalt  }
0x62: {  	_ =	shalt  }
0x63: {  	_ =	shalt  }
0x64: {  	_ =	shalt  }
0x65: {  	_ =	shalt  }
0x66: {  	_ =	shalt  }
0x67: {  	_ =	shalt  }
0x68: {  	_ =	shalt  }
0x69: {  	_ =	shalt  }
0x6a: {  	_ =	shalt  }
0x6b: {  	_ =	shalt  }
0x6c: {  	_ =	shalt  }
0x6d: {  	_ =	shalt  }
0x6e: {  	_ =	shalt  }
0x6f: {  	_ =	shalt  }
0x70: {  	_ =	shalt  }
0x71: {  	_ =	shalt  }
0x72: {  	_ =	shalt  }
0x73: {  	_ =	shalt  }
0x74: {  	_ =	shalt  }
0x75: {  	_ =	shalt  }
0x76: {  	_ =	shalt  }
0x77: {  	_ =	shalt  }
0x78: {  	_ =	shalt  }
0x79: {  	_ =	shalt  }
0x7a: {  	_ =	shalt  }
0x7b: {  	_ =	shalt  }
0x7c: {  	_ =	shalt  }
0x7d: {  	_ =	shalt  }
0x7e: {  	_ =	shalt  }
0x7f: {  	_ =	shalt  }
0x80: {  	_ =	shalt  }
0x81: {  	_ =	shalt  }
0x82: {  	_ =	shalt  }
0x83: {  	_ =	shalt  }
0x84: {  	_ =	shalt  }
0x85: {  	_ =	shalt  }
0x86: {  	_ =	shalt  }
0x87: {  	_ =	shalt  }
.Lfunc_end0:
.L_simem_size_0:
called_computation_lowered:
.L_overlay_start_0:
0x88: {  	s2 =	sld [smem:$0x3FD9]  }
0x89: {  	s3 =	sld [smem:$0x3FFE];
	_ =	sdelay $0x1  }
0x8a: {  	s1 =	srdreg.scid  }
0x8b: {  	s0 =	sand.u32 $0x1, s1  }
0x8c: {  	s14 =	sshll.u32 s0, $0xA;
	s2 =	sadd.s32 s3, s2  }
0x8d: {  	s2 =	sadd.s32 s2, s14  }
0x8e: {  	[smem:$0x3FB7] =	sst s2  }
0x8f: {  	_ = 	snop  }
0x90: {  	s2 =	sld [smem:$0x3FD0];
	_ =	sdelay $0x2  }
0x91: {  	s15 =	simm.s32 $0xA;
	s4 =	simm.s32 $0x10  }
0x92: {  	[smem:s4], [sflag:s15] =	dma.local [hbm:s2], $0x1  }
0x93: {  	_ =	swait.eq [sflag:s15], $0x1  }
0x94: {  	[sflag:s15] =	ssyncset.done $0x0  }
0x95: {  	[sflag:s15] =	ssyncadd.s32 $0xFFFFFFFF  }
0x96: {  	s16 =	sld [smem:$0x11];
	(tm) =	ssettm $0x1  }
0x97: {  	s17 =	sld [smem:$0x3FFB];
	_ =	sdelay $0x3  }
0x98: {  	_ =	strace s17  }
0x99: {  	s3 =	sld [smem:$0x3FFC];
	_ =	sdelay $0x3  }
0x9a: {  	_ =	strace s3  }
0x9b: {  	s3 =	sld [smem:$0x3FFD];
	_ =	sdelay $0x3  }
0x9c: {  	_ =	strace s3  }
0x9d: {  	_ =	strace $0x8FFFFFFF  }
0x9e: {  	s18 =	sld [smem:$0x3FDB];
	_ =	sdelay $0x1  }
0x9f: {  	s19 =	simm.s32 $_scs_section_size  }
0xa0: {  	s5 =	simm.s32 $_size__tile_overlayer_lowered;
	s6 =	simm.s32 $_tile_overlayer_lowered  }
0xa1: {  	s22 =	simm.s32 $0x1BFF;
	s21 =	sshll.u32 s6, $0x1;
	s3 =	sadd.s32 s19, s18  }
0xa2: {  	s7 =	simm.s32 $0x0;
	s20 =	sshll.u32 s5, $0x1;
	s5 =	sadd.s32 s21, s3  }
0xa3: {  	[timem:s7], [sflag:s22] =	dma.local [hbm:s5], s20  }
0xa4: {  	_ =	swait.ge [sflag:s22], s20  }
0xa5: {  	s4 =	ssub.s32 $0x0, s20;
	[sflag:s22] =	ssyncset.done $0x0  }
0xa6: {  	[sflag:s22] =	ssyncadd.s32 s4;
	_ =	sdelay $0x1  }
0xa7: {  	s23 =	simm.s32 $0x1B8B  }
0xa8: {  	_ =	swait.ge [sflag:s23], $0x1  }
0xa9: {  	[sflag:s23] =	ssyncset.done $0x0  }
0xaa: {  	s25 =	simm.s32 $0x1B8E;
	s24 =	sld [smem:$0x3FFE];
	[sflag:s23] =	ssyncadd.s32 $0xFFFFFFFF  }
0xab: {  	s26 =	simm.s32 $execute0_lowered;
	[smem:$0x3FD2] =	sst s25  }
0xac: {  	s5 =	sshll.u32 s26, $0x1;
	_ =	strace $0x80000046;
	[dreg:$0x1] =	wrdreg $0xFFFFFFFF  }
0xad: {  	s28 =	simm.s32 $_size_execute0_lowered;
	s3 =	sadd.s32 s3, s5;
	[dreg:$0x0] =	wrdreg $0x0  }
0xae: {  	s5 =	sshll.u32 s28, $0x1;
	[dreg:$0x2] =	wrdreg s3  }
0xaf: {  	[dreg:$0x3] =	wrdreg s5  }
0xb0: {  	[dreg:$0x4] =	wrdreg $0xC0  }
0xb1: {  	_ =	task [dreg:s7], $0x5FFFF  }
0xb2: {  	[dreg:$0x1] =	wrdreg $0xFFFFFFFF  }
0xb3: {  	[dreg:$0x0] =	wrdreg $0x60  }
0xb4: {  	[dreg:$0x2] =	wrdreg s16  }
0xb5: {  	[dreg:$0x3] =	wrdreg s24  }
0xb6: {  	[dreg:$0x4] =	wrdreg $0xA8000  }
0xb7: {  	[dreg:$0x5] =	wrdreg $0x9  }
0xb8: {  	_ =	task.clear_ibuf [dreg:s7], $0x6FFFF;
	_ =	strace $0x90000046  }
0xb9: {  	s29 =	simm.s32 $0x9;
	_ =	strace $0x80000048  }
0xba: {  	_ =	swait.ge [sflag:s29], $0x1  }
0xbb: {  	[sflag:s29] =	ssyncadd.s32 $0xFFFFFFFF  }
0xbc: {  	_ =	strace $0x90000048  }
0xbd: {  	_ =	sfence  }
0xbe: {  	s30 =	sld [smem:$0x0];
	_ =	sdelay $0x2  }
0xbf: {  	s31 =	sshll.u32 s1, $0xD;
	s1 =	sshrl.u32 s1, $0x2  }
0xc0: {  	s3 =	sand.u32 $0x4000, s31;
	s1 =	sadd.s32 s1, s30  }
0xc1: {  	s0 =	sor.u32 s3, s0;
	s1 =	sshll.u32 s1, $0x11  }
0xc2: {  	s0 =	sor.u32 s1, s0  }
0xc3: {  	s0 =	sadd.s32 $0x8F2B, s0  }
0xc4: {  	[sflag:s0] =	ssyncadd.remote.s32 $0x1  }
0xc5: {  	_ =	sfence.sel $0xFFFF  }
0xc6: {  	[dreg:$0x0] =	wrdreg $0xFFFFFFFF;
	(pc) =	sbr.abs _section_cstart, $3  }
0xc7: {  	[dreg:$0x1] =	wrdreg $0xFFFFFFFF  }
0xc8: {  	_ =	task.clear_ibuf [dreg:s7], $0x2FFFF;
	_ =	strace $0x9FFFFFFF  }
0xc9: {  	(tm) =	ssettm $0x7FFFFFFF  }
tec
execute0_lowered:
.L_overlay_start_1:
0x0: {  	(tag) =	ssettag $0x1  }
0x1: {  	s1 =	rddreg [dreg:$0x0]  }
0x2: {  	s7 =	rddreg [dreg:$0x1]  }
0x3: {  	s3 =	rddreg [dreg:$0x2];
	s4 =	srdreg.scid  }
0x4: {  	s0 =	rddreg [dreg:$0x3];
	s2 =	stileid.u32  }
0x5: {  	s18 =	simm.s32 $0x1;
	s19 =	simm.s32 $0x4000;
	s20 =	simm.s32 $0x50  }
0x6: {  	s21 =	simm.s32 $0x8000;
	s25 =	simm.s32 $0x1FC1;
	s26 =	simm.s32 $0x0  }
0x7: {  	s12 =	sand.u32 $0x1, s4;
	s4 =	simm.s32 $0x0;
	s6 =	sshll.u32 s2, $0xB  }
0x8: {  	s9 =	smul.u32 $0x4E000, s2;
	p0 =	seq.s32 s2, $0xF;
	p3 =	sne.s32 s2, $0xF  }
0x9: {  	s13 =	smul.u32 $0x2700, s2;
	s5 =	sshll.u32 s12, $0xF;
	[smem:$0x7FF] =	sst s4  }
0xa: {  	s8 =	ssub.s32 $0x2, s12;
	p4 =	seq.s32 s12, $0x0;
	p1 =	seq.s32 s12, $0x1  }
0xb: {  	s16 =	sshll.u32 @!p0 s2, $0x6;
	s5 =	sor.u32 s6, s5;
	_ =	strace $0x80000047  }
0xc: {  	s6 =	sadd.s32 $0x27200, s7;
	s10 =	sshrl.u32 s8, $0x1;
	s9 =	sshrl.u32 s9, $0x2  }
0xd: {  	p2 =	por !p4, !p3;
	p4 =	por !p4, !p0;
	p5 =	por !p3, !p1  }
0xe: {  	s16 =	sor.u32 @!p0 $0x1C01, s16;
	s11 =	sadd.s32 s5, s7;
	s5 =	sadd.s32 $0x24A00, s7  }
0xf: {  	s7 =	sadd.s32 $0x4E400, s7;
	s14 =	ssub.s32 s8, s10;
	s8 =	sadd.s32 $0x124800, s3  }
0x10: {  	s9 =	sadd.s32 s9, s3;
	p2 =	por !p2, !p2;
	s12 =	sadd.s32 s6, s13  }
.Ltmp0:
0x11: {  	p3 =	por !p4, !p4;
	p6 =	por !p5, !p5;
	(pc) =	sbr.rel .LBB2_1-.Ltmp0, $4  }
0x12: {  	s10 =	sadd.s32 $0x4A00, s11;
	s11 =	sadd.s32 $0x14A00, s11;
	s13 =	sadd.s32 s7, s13  }
0x13: {  	s14 =	smax.u32 s14, $0x1;
	s15 =	sshrl.u32 @p0 s8, $0x3;
	p4 =	por !p6, p3  }
0x14: {  	s17 =	sshrl.u32 @!p0 s9, $0x3;
	s22 =	sshll.u32 @p2 s2, $0x6;
	s24 =	sshll.u32 @!p4 s2, $0x6  }
0x15: {  	s23 =	sshrl.u32 @p2 s9, $0x3;
	s22 =	sor.u32 @p2 $0x1C01, s22;
	s24 =	sor.u32 @!p4 $0x1C01, s24  }
.LBB2_5:
0x16: {  	s26 =	sadd.s32 $0x1, s26  }
0x17: {  	p5 =	sne.s32 s26, s14  }
.Ltmp1:
0x18: {  	_ = 	snop;
	(pc) =	sbr.rel @!p5 .LBB2_6-.Ltmp1, $1  }
0x19: {  	_ =	sdelay $0x3  }
.LBB2_1:
0x1a: {  	s28 =	simm.s32 @p0 $0x1FC1  }
0x1b: {  	[spmem:s15], [sflag:s28] =	dma.local @p0 [hbm:s5], $0x2800  }
0x1c: {  	s28 =	simm.s32 @p0 $0x1  }
0x1d: {  	_ =	swait.ge @p0 [sflag:s28], $0x2800  }
0x1e: {  	[sflag:s28] =	ssyncset.done @p0 $0x0  }
0x1f: {  	[sflag:s28] =	ssyncadd.s32 @p0 $0xFFFFD800;
	s28 =	simm.s32 @!p0 $0x1  }
0x20: {  	[spmem:s17], [sflag:s16] =	dma.local @!p0 [hbm:s5], $0x2700  }
0x21: {  	_ =	swait.ge @!p0 [sflag:s28], $0x2700  }
0x22: {  	[sflag:s28] =	ssyncset.done @!p0 $0x0  }
0x23: {  	[sflag:s28] =	ssyncadd.s32 @!p0 $0xFFFFD900  }
0x24: {  	[bflag:$0x0] =	sbarrier.arrive $0xFFFF  }
0x25: {  	[tilespmem:s4], [sflag:$0x1] =	stream.linear.gather [hbm4b:s10+s4], $0x3E80, $0x38;
	[tilespmem:$0x1E080] =	vst v63  }
0x26: {  	_ =	swait.ge [sflag:s18], $0x3E80  }
0x27: {  	[sflag:s18] =	ssyncset.done $0x0  }
0x28: {  	[sflag:s18] =	ssyncadd.s32 $0xFFFFC180  }
0x29: {  	[tilespmem:s19], [sflag:$0x1] =	stream.linear.gather [hbm4b:s11+s4], $0x3E80, $0x38;
	[tilespmem:$0x1E080] =	vst v63  }
0x2a: {  	_ =	swait.ge [sflag:s18], $0x3E80  }
0x2b: {  	[sflag:s18] =	ssyncset.done $0x0  }
0x2c: {  	s28 =	simm.s32 $0x0;
	[sflag:s18] =	ssyncadd.s32 $0xFFFFC180  }
0x2d: {  	[tilespmem:s21], [sflag:$0x1] =	stream.indirect.gather [hbm4b:s1+s20], $0x80, s28, s20, $0xb8;
	[tilespmem:$0x1E080] =	vst v63  }
0x2e: {  	_ =	swait.ge [sflag:s18], $0x2800  }
0x2f: {  	[sflag:s18] =	ssyncset.done $0x0  }
0x30: {  	s28 =	simm.s32 $0x4000;
	[sflag:s18] =	ssyncadd.s32 $0xFFFFD800  }
0x31: {  	[spmem:s3] =	stream.indirect.scatter.add.f32 [tilespmem:s21], [sflag:$0x1], $0x80, s28, s20, $0xb8;
	[tilespmem:$0x1E080] =	vst v63  }
0x32: {  	_ =	swait.ge [sflag:s18], $0x2800  }
0x33: {  	s29 =	simm.s32 $0x400;
	s28 =	simm.s32 $0x200;
	[sflag:s18] =	ssyncset.done $0x0  }
.LBB2_2:
0x34: {  	s30 =	sshra.s32 s28, $0x2  }
0x35: {  	[sflag:s18] =	ssyncadd.s32 $0xFFFFD800;
	s28 =	smov.u32 s29;
	s31 =	sadd.s32 $0x200, s29  }
0x36: {  	[tilespmem:s21], [sflag:$0x1] =	stream.indirect.gather [hbm4b:s1+s20], $0x80, s30, s20, $0xb8;
	[tilespmem:$0x1E080] =	vst v63  }
0x37: {  	p5 =	sne.s32 s29, $0xF800;
	_ =	swait.ge [sflag:s18], $0x2800  }
.Ltmp2:
0x38: {  	[sflag:s18] =	ssyncset.done $0x0;
	(pc) =	sbr.rel @p5 .LBB2_2-.Ltmp2, $4  }
0x39: {  	s29 =	sadd.s32 $0x4000, s30;
	[sflag:s18] =	ssyncadd.s32 $0xFFFFD800  }
0x3a: {  	[spmem:s3] =	stream.indirect.scatter.add.f32 [tilespmem:s21], [sflag:$0x1], $0x80, s29, s20, $0xb8;
	[tilespmem:$0x1E080] =	vst v63  }
0x3b: {  	_ =	swait.ge [sflag:s18], $0x2800  }
0x3c: {  	s29 =	smov.u32 s31;
	[sflag:s18] =	ssyncset.done $0x0  }
0x3d: {  	s28 =	sshra.s32 s28, $0x2;
	[sflag:s18] =	ssyncadd.s32 $0xFFFFD800  }
0x3e: {  	[tilespmem:s21], [sflag:$0x1] =	stream.indirect.gather [hbm4b:s1+s20], $0x80, s28, s20, $0xb8;
	[tilespmem:$0x1E080] =	vst v63  }
0x3f: {  	_ =	swait.ge [sflag:s18], $0x2800  }
0x40: {  	[sflag:s18] =	ssyncset.done $0x0  }
0x41: {  	s28 =	sadd.s32 $0x4000, s28;
	[sflag:s18] =	ssyncadd.s32 $0xFFFFD800  }
0x42: {  	[spmem:s3] =	stream.indirect.scatter.add.f32 [tilespmem:s21], [sflag:$0x1], $0x80, s28, s20, $0xb8;
	[tilespmem:$0x1E080] =	vst v63  }
0x43: {  	_ =	swait.ge [sflag:s18], $0x2800  }
0x44: {  	[sflag:s18] =	ssyncset.done $0x0  }
0x45: {  	p5 =	por @!p4 $0x1, $0x1;
	p6 =	por p1, p1;
	[sflag:s18] =	ssyncadd.s32 $0xFFFFD800  }
0x46: {  	p6 =	por @!p4 p5, p5;
	s28 =	simm.s32 @p2 $0x1;
	[bflag:$0x0] =	sbarrier.arrive $0xFFFF  }
0x47: {  	[hbm:s12], [sflag:s22] =	dma.local @p2 [spmem:s23], $0x2700  }
0x48: {  	p5 =	por @!p3 !p6, !p0;
	_ =	swait.ge @p2 [sflag:s28], $0x2700  }
0x49: {  	p5 =	por @!p3 !p5, !p5;
	[sflag:s28] =	ssyncset.done @p2 $0x0  }
0x4a: {  	p5 =	por p3, p5;
	[sflag:s28] =	ssyncadd.s32 @p2 $0xFFFFD900;
	s28 =	sshrl.u32 @!p4 s9, $0x3  }
0x4b: {  	[hbm:s13], [sflag:s24] =	dma.local @!p4 [spmem:s28], $0x2700  }
.Ltmp3:
0x4c: {  	_ = 	snop;
	(pc) =	sbr.rel @!p5 .LBB2_5-.Ltmp3, $4  }
0x4d: {  	s28 =	simm.s32 @!p4 $0x1  }
0x4e: {  	_ =	swait.ge @!p4 [sflag:s28], $0x2700  }
0x4f: {  	[sflag:s28] =	ssyncset.done @!p4 $0x0  }
0x50: {  	[sflag:s28] =	ssyncadd.s32 @!p4 $0xFFFFD900  }
0x51: {  	s28 =	smov.u32 s7  }
0x52: {  	s28 =	smov.u32 @p3 s6  }
.Ltmp4:
0x53: {  	s29 =	sshrl.u32 s8, $0x3;
	s28 =	sadd.s32 $0x24900, s28;
	(pc) =	sbr.rel .LBB2_5-.Ltmp4, $4  }
0x54: {  	[hbm:s28], [sflag:s25] =	dma.local [spmem:s29], $0x2800  }
0x55: {  	_ =	swait.ge [sflag:s18], $0x2800  }
0x56: {  	[sflag:s18] =	ssyncset.done $0x0  }
0x57: {  	[sflag:s18] =	ssyncadd.s32 $0xFFFFD800  }
.LBB2_6:
0x58: {  	_ =	sfence.sel $0x180000  }
0x59: {  	[bflag:$0x0] =	sbarrier.arrive $0xFFFF  }
0x5a: {  	p0 =	sne.s32 s2, $0x0;
	_ =	strace $0x90000047  }
0x5b: {  	s0 =	sadd.s32 @!p0 $0x100000, s0;
	[bflag:$0x2] =	sbarrier.arrive $0xFFFF  }
0x5c: {  	[sflag:s0] =	ssyncadd.tile.s32 @!p0 $0x1;
	_ =	shalt  }
.Lfunc_end2:
_tile_overlayer_lowered:
.L_overlay_start_2:
0x5d: {  	(tag) =	ssettag $0x2  }
0x5e: {  	s0 =	rddreg [dreg:$0x0];
	s2 =	stileid.u32  }
0x5f: {  	s1 =	rddreg [dreg:$0x1];
	p0 =	sne.s32 s2, $0x0  }
0x60: {  	s3 =	rddreg [dreg:$0x2];
	[bflag:$0x3] =	sbarrier.arrive $0xFFFF;
	s2 =	simm.s32 @!p0 $0x1C01  }
0x61: {  	[timem:s3], [sflag:s2] =	dma.local @!p0 [hbm:s0], s1  }
0x62: {  	s0 =	simm.s32 @!p0 $0x1  }
0x63: {  	_ =	swait.ge @!p0 [sflag:s0], s1  }
0x64: {  	s1 =	ssub.s32 @!p0 $0x0, s1;
	[sflag:s0] =	ssyncset.done @!p0 $0x0  }
0x65: {  	[sflag:s0] =	ssyncadd.s32 @!p0 s1  }
0x66: {  	[bflag:$0x3] =	sbarrier.arrive $0xFFFF  }
0x67: {  	_ =	shalt  }

// kernel: kernel.13.cloned.1.call-start
scs
__scs_entry_jumppad:
0x0: {  	(pc) =	sbr.rel $0x88, $3  }
0x1: {  	(tag) =	ssettag $0x0;
	lr =	simm.s32 $0x1  }
0x2: {  	[smem:$0x3F90] =	sst lr;
	_ =	strace $0xD0000000  }
0x3: {  	_ = 	snop  }
0x4: {  	_ = 	snop  }
0x5: {  	_ = 	snop  }
0x6: {  	_ = 	snop  }
0x7: {  	_ = 	snop  }
__scs_overlays_trampoline_lowered:
0x8: {  	[smem:$0x3F9F] =	sst s0  }
0x9: {  	[smem:$0x3FA0] =	sst s1  }
0xa: {  	[smem:$0x3FA1] =	sst s2  }
0xb: {  	[smem:$0x3FA2] =	sst s3  }
0xc: {  	[smem:$0x3FA3] =	sst s4  }
0xd: {  	[smem:$0x3FA4] =	sst s5  }
0xe: {  	[smem:$0x3FA5] =	sst s6  }
0xf: {  	[smem:$0x3FA6] =	sst s7  }
0x10: {  	[smem:$0x3FA7] =	sst s8  }
0x11: {  	[smem:$0x3FA8] =	sst s9;
	s0 =	simm.s32 @!p0 $0x0  }
0x12: {  	s1 =	sld [smem:$0x3F8E];
	s0 =	simm.s32 @p0 $0x1  }
0x13: {  	[smem:$0x3FA9] =	sst s0;
	s0 =	simm.s32 @!p1 $0x0  }
0x14: {  	s2 =	sld [smem:$0x3F8D];
	s0 =	simm.s32 @p1 $0x1  }
0x15: {  	[smem:$0x3FAA] =	sst s0;
	s0 =	simm.s32 @!p2 $0x0  }
0x16: {  	s3 =	sld [smem:$0x3FDB];
	s0 =	simm.s32 @p2 $0x1  }
0x17: {  	s4 =	simm.s32 $0x1BF5;
	[smem:$0x3FAC] =	sst s0  }
0x18: {  	s0 =	sld [smem:$0x3F8F];
	_ =	swait.ge [sflag:s4], $0x0  }
0x19: {  	s7 =	sld [smem:$0x3F90]  }
0x1a: {  	s8 =	sadd.s32 $0xFFFFE003, lr  }
0x1b: {  	s9 =	sadd.s32 $0xFFFFFEF7, lr;
	s5 =	simm.s32 $0xFFFFFFFF;
	p2 =	slt.u32 s8, $0xFFFFF086  }
0x1c: {  	p1 =	slt.u32 s9, $0xF7A;
	s5 =	simm.s32 @!p2 $0x0  }
0x1d: {  	s5 =	simm.s32 @p1 $0x1;
	p0 =	seq.s32 s7, s2  }
0x1e: {  	s7 =	smul.u32 @!p0 $0xF7A, s2;
	p2 =	seq.s32 @!p0 s5, $0x0  }
0x1f: {  	s9 =	smul.u32 $0xF7A, s1;
	s8 =	simm.s32 @!p0 $0x1BF5;
	p2 =	por !p2, p0  }
0x20: {  	[sflag:s8] =	ssyncset.s32 @!p0 $0xFFFFF086;
	s6 =	sadd.s32 @!p0 s3, s7;
	s7 =	simm.s32 @!p0 $0x108  }
0x21: {  	s3 =	sadd.s32 s3, s9;
	s6 =	sadd.s32 @!p0 $0x88, s6;
	s7 =	simm.s32 @p2 $0x1082  }
0x22: {  	[simem:s7], [sflag:s8] =	dma.local @!p0 [hbm:s6], $0xF7A  }
0x23: {  	s9 =	sor.u32 $0xD0000000, s2;
	s6 =	simm.s32 $0x108;
	_ =	swait.ge @!p0 [sflag:s8], $0x0  }
0x24: {  	s3 =	sadd.s32 $0x88, s3;
	s6 =	simm.s32 @!p1 $0x1082;
	[sflag:s4] =	ssyncset.s32 $0xFFFFF086  }
0x25: {  	[simem:s6], [sflag:s4] =	dma.local [hbm:s3], $0xF7A  }
0x26: {  	[smem:$0x3F90] =	sst s1;
	(tag) =	ssettag s2;
	_ =	strace s9  }
0x27: {  	s1 =	sld [smem:$0x3FA0]  }
0x28: {  	s2 =	sld [smem:$0x3FA1]  }
0x29: {  	s4 =	sld [smem:$0x3FA3]  }
0x2a: {  	p0 =	seq.s32 s5, $0x0;
	s5 =	sld [smem:$0x3FA4]  }
0x2b: {  	s6 =	sld [smem:$0x3FA5]  }
0x2c: {  	s7 =	sld [smem:$0x3FA6]  }
0x2d: {  	s3 =	simm.s32 $0x108;
	s8 =	sld [smem:$0x3FA7]  }
0x2e: {  	s3 =	simm.s32 @!p0 $0x1082;
	s9 =	sld [smem:$0x3FA8]  }
0x2f: {  	lr =	sadd.s32 s0, s3;
	s0 =	sld [smem:$0x3F9F]  }
0x30: {  	s3 =	sld [smem:$0x3FA2]  }
0x31: {  	[smem:$0x3FAB] =	sst s10  }
0x32: {  	s10 =	sld [smem:$0x3FA9];
	_ =	sdelay $0x3  }
0x33: {  	p0 =	seq.s32 s10, $0x1;
	s10 =	sld [smem:$0x3FAB];
	_ =	sdelay $0x3  }
0x34: {  	[smem:$0x3FAB] =	sst s10  }
0x35: {  	s10 =	sld [smem:$0x3FAA];
	_ =	sdelay $0x3  }
0x36: {  	p1 =	seq.s32 s10, $0x1;
	s10 =	sld [smem:$0x3FAB];
	_ =	sdelay $0x3  }
0x37: {  	[smem:$0x3FAB] =	sst s10  }
0x38: {  	s10 =	sld [smem:$0x3FAC]  }
0x39: {  	_ = 	snop;
	(pc) =	sbr.ind lr, $3  }
0x3a: {  	_ = 	snop  }
0x3b: {  	_ = 	snop  }
0x3c: {  	p2 =	seq.s32 s10, $0x1;
	s10 =	sld [smem:$0x3FAB]  }
0x3d: {  	_ =	shalt  }
0x3e: {  	_ =	shalt  }
0x3f: {  	_ =	shalt  }
0x40: {  	_ =	shalt  }
0x41: {  	_ =	shalt  }
0x42: {  	_ =	shalt  }
0x43: {  	_ =	shalt  }
0x44: {  	_ =	shalt  }
0x45: {  	_ =	shalt  }
0x46: {  	_ =	shalt  }
0x47: {  	_ =	shalt  }
0x48: {  	_ =	shalt  }
0x49: {  	_ =	shalt  }
0x4a: {  	_ =	shalt  }
0x4b: {  	_ =	shalt  }
0x4c: {  	_ =	shalt  }
0x4d: {  	_ =	shalt  }
0x4e: {  	_ =	shalt  }
0x4f: {  	_ =	shalt  }
0x50: {  	_ =	shalt  }
0x51: {  	_ =	shalt  }
0x52: {  	_ =	shalt  }
0x53: {  	_ =	shalt  }
0x54: {  	_ =	shalt  }
0x55: {  	_ =	shalt  }
0x56: {  	_ =	shalt  }
0x57: {  	_ =	shalt  }
0x58: {  	_ =	shalt  }
0x59: {  	_ =	shalt  }
0x5a: {  	_ =	shalt  }
0x5b: {  	_ =	shalt  }
0x5c: {  	_ =	shalt  }
0x5d: {  	_ =	shalt  }
0x5e: {  	_ =	shalt  }
0x5f: {  	_ =	shalt  }
0x60: {  	_ =	shalt  }
0x61: {  	_ =	shalt  }
0x62: {  	_ =	shalt  }
0x63: {  	_ =	shalt  }
0x64: {  	_ =	shalt  }
0x65: {  	_ =	shalt  }
0x66: {  	_ =	shalt  }
0x67: {  	_ =	shalt  }
0x68: {  	_ =	shalt  }
0x69: {  	_ =	shalt  }
0x6a: {  	_ =	shalt  }
0x6b: {  	_ =	shalt  }
0x6c: {  	_ =	shalt  }
0x6d: {  	_ =	shalt  }
0x6e: {  	_ =	shalt  }
0x6f: {  	_ =	shalt  }
0x70: {  	_ =	shalt  }
0x71: {  	_ =	shalt  }
0x72: {  	_ =	shalt  }
0x73: {  	_ =	shalt  }
0x74: {  	_ =	shalt  }
0x75: {  	_ =	shalt  }
0x76: {  	_ =	shalt  }
0x77: {  	_ =	shalt  }
0x78: {  	_ =	shalt  }
0x79: {  	_ =	shalt  }
0x7a: {  	_ =	shalt  }
0x7b: {  	_ =	shalt  }
0x7c: {  	_ =	shalt  }
0x7d: {  	_ =	shalt  }
0x7e: {  	_ =	shalt  }
0x7f: {  	_ =	shalt  }
0x80: {  	_ =	shalt  }
0x81: {  	_ =	shalt  }
0x82: {  	_ =	shalt  }
0x83: {  	_ =	shalt  }
0x84: {  	_ =	shalt  }
0x85: {  	_ =	shalt  }
0x86: {  	_ =	shalt  }
0x87: {  	_ =	shalt  }
.Lfunc_end0:
.L_simem_size_0:
called_computation.1_lowered:
.L_overlay_start_0:
0x88: {  	s2 =	sld [smem:$0x3FD9]  }
0x89: {  	s3 =	sld [smem:$0x3FFE];
	_ =	sdelay $0x1  }
0x8a: {  	s1 =	srdreg.scid  }
0x8b: {  	s0 =	sand.u32 $0x1, s1  }
0x8c: {  	s14 =	sshll.u32 s0, $0xA;
	s2 =	sadd.s32 s3, s2  }
0x8d: {  	s2 =	sadd.s32 s2, s14  }
0x8e: {  	[smem:$0x3FB7] =	sst s2  }
0x8f: {  	_ = 	snop  }
0x90: {  	s2 =	sld [smem:$0x3FD0];
	_ =	sdelay $0x2  }
0x91: {  	s15 =	simm.s32 $0xA;
	s4 =	simm.s32 $0x10  }
0x92: {  	[smem:s4], [sflag:s15] =	dma.local [hbm:s2], $0x1  }
0x93: {  	_ =	swait.eq [sflag:s15], $0x1  }
0x94: {  	[sflag:s15] =	ssyncset.done $0x0  }
0x95: {  	[sflag:s15] =	ssyncadd.s32 $0xFFFFFFFF  }
0x96: {  	s16 =	sld [smem:$0x11];
	(tm) =	ssettm $0x1  }
0x97: {  	s17 =	sld [smem:$0x3FFB];
	_ =	sdelay $0x3  }
0x98: {  	_ =	strace s17  }
0x99: {  	s3 =	sld [smem:$0x3FFC];
	_ =	sdelay $0x3  }
0x9a: {  	_ =	strace s3  }
0x9b: {  	s3 =	sld [smem:$0x3FFD];
	_ =	sdelay $0x3  }
0x9c: {  	_ =	strace s3  }
0x9d: {  	_ =	strace $0x8FFFFFFF  }
0x9e: {  	s18 =	sld [smem:$0x3FDB];
	_ =	sdelay $0x1  }
0x9f: {  	s19 =	simm.s32 $_scs_section_size  }
0xa0: {  	s5 =	simm.s32 $_size__tile_overlayer_lowered;
	s6 =	simm.s32 $_tile_overlayer_lowered  }
0xa1: {  	s22 =	simm.s32 $0x1BFF;
	s21 =	sshll.u32 s6, $0x1;
	s3 =	sadd.s32 s19, s18  }
0xa2: {  	s7 =	simm.s32 $0x0;
	s20 =	sshll.u32 s5, $0x1;
	s5 =	sadd.s32 s21, s3  }
0xa3: {  	[timem:s7], [sflag:s22] =	dma.local [hbm:s5], s20  }
0xa4: {  	_ =	swait.ge [sflag:s22], s20  }
0xa5: {  	s4 =	ssub.s32 $0x0, s20;
	[sflag:s22] =	ssyncset.done $0x0  }
0xa6: {  	[sflag:s22] =	ssyncadd.s32 s4;
	_ =	sdelay $0x1  }
0xa7: {  	s23 =	simm.s32 $0x1B8B  }
0xa8: {  	_ =	swait.ge [sflag:s23], $0x1  }
0xa9: {  	[sflag:s23] =	ssyncset.done $0x0  }
0xaa: {  	s25 =	simm.s32 $0x1B8E;
	s24 =	sld [smem:$0x3FFE];
	[sflag:s23] =	ssyncadd.s32 $0xFFFFFFFF  }
0xab: {  	s26 =	simm.s32 $execute0_lowered;
	[smem:$0x3FD2] =	sst s25  }
0xac: {  	s5 =	sshll.u32 s26, $0x1;
	_ =	strace $0x80000049;
	[dreg:$0x1] =	wrdreg $0xFFFFFFFF  }
0xad: {  	s28 =	simm.s32 $_size_execute0_lowered;
	s3 =	sadd.s32 s3, s5;
	[dreg:$0x0] =	wrdreg $0x0  }
0xae: {  	s5 =	sshll.u32 s28, $0x1;
	[dreg:$0x2] =	wrdreg s3  }
0xaf: {  	[dreg:$0x3] =	wrdreg s5  }
0xb0: {  	[dreg:$0x4] =	wrdreg $0xC0  }
0xb1: {  	_ =	task [dreg:s7], $0x5FFFF  }
0xb2: {  	[dreg:$0x1] =	wrdreg $0xFFFFFFFF  }
0xb3: {  	[dreg:$0x0] =	wrdreg $0x60  }
0xb4: {  	[dreg:$0x2] =	wrdreg s16  }
0xb5: {  	[dreg:$0x3] =	wrdreg s24  }
0xb6: {  	[dreg:$0x4] =	wrdreg $0xA8000  }
0xb7: {  	[dreg:$0x5] =	wrdreg $0x9  }
0xb8: {  	_ =	task.clear_ibuf [dreg:s7], $0x6FFFF;
	_ =	strace $0x90000049  }
0xb9: {  	s29 =	simm.s32 $0x9;
	_ =	strace $0x8000004B  }
0xba: {  	_ =	swait.ge [sflag:s29], $0x1  }
0xbb: {  	[sflag:s29] =	ssyncadd.s32 $0xFFFFFFFF  }
0xbc: {  	_ =	strace $0x9000004B  }
0xbd: {  	_ =	sfence  }
0xbe: {  	s30 =	sld [smem:$0x0];
	_ =	sdelay $0x2  }
0xbf: {  	s31 =	sshll.u32 s1, $0xD;
	s1 =	sshrl.u32 s1, $0x2  }
0xc0: {  	s3 =	sand.u32 $0x4000, s31;
	s1 =	sadd.s32 s1, s30  }
0xc1: {  	s0 =	sor.u32 s3, s0;
	s1 =	sshll.u32 s1, $0x11  }
0xc2: {  	s0 =	sor.u32 s1, s0  }
0xc3: {  	s0 =	sadd.s32 $0x8F2B, s0  }
0xc4: {  	[sflag:s0] =	ssyncadd.remote.s32 $0x1  }
0xc5: {  	_ =	sfence.sel $0xFFFF  }
0xc6: {  	[dreg:$0x0] =	wrdreg $0xFFFFFFFF;
	(pc) =	sbr.abs _section_cstart, $3  }
0xc7: {  	[dreg:$0x1] =	wrdreg $0xFFFFFFFF  }
0xc8: {  	_ =	task.clear_ibuf [dreg:s7], $0x2FFFF;
	_ =	strace $0x9FFFFFFF  }
0xc9: {  	(tm) =	ssettm $0x7FFFFFFF  }
tec
execute0_lowered:
.L_overlay_start_1:
0x0: {  	(tag) =	ssettag $0x1  }
0x1: {  	s1 =	rddreg [dreg:$0x0]  }
0x2: {  	s7 =	rddreg [dreg:$0x1]  }
0x3: {  	s3 =	rddreg [dreg:$0x2];
	s4 =	srdreg.scid  }
0x4: {  	s0 =	rddreg [dreg:$0x3];
	s2 =	stileid.u32  }
0x5: {  	s18 =	simm.s32 $0x1;
	s19 =	simm.s32 $0x4000;
	s20 =	simm.s32 $0x50  }
0x6: {  	s21 =	simm.s32 $0x8000;
	s25 =	simm.s32 $0x1FC1;
	s26 =	simm.s32 $0x0  }
0x7: {  	s12 =	sand.u32 $0x1, s4;
	s4 =	simm.s32 $0x0;
	s6 =	sshll.u32 s2, $0xB  }
0x8: {  	s9 =	smul.u32 $0x4E000, s2;
	p0 =	seq.s32 s2, $0xF;
	p3 =	sne.s32 s2, $0xF  }
0x9: {  	s13 =	smul.u32 $0x2700, s2;
	s5 =	sshll.u32 s12, $0xF;
	[smem:$0x7FF] =	sst s4  }
0xa: {  	s8 =	ssub.s32 $0x2, s12;
	p4 =	seq.s32 s12, $0x0;
	p1 =	seq.s32 s12, $0x1  }
0xb: {  	s16 =	sshll.u32 @!p0 s2, $0x6;
	s5 =	sor.u32 s6, s5;
	_ =	strace $0x8000004A  }
0xc: {  	s6 =	sadd.s32 $0x27200, s7;
	s10 =	sshrl.u32 s8, $0x1;
	s9 =	sshrl.u32 s9, $0x2  }
0xd: {  	p2 =	por !p4, !p3;
	p4 =	por !p4, !p0;
	p5 =	por !p3, !p1  }
0xe: {  	s16 =	sor.u32 @!p0 $0x1C01, s16;
	s11 =	sadd.s32 s5, s7;
	s5 =	sadd.s32 $0x24A00, s7  }
0xf: {  	s7 =	sadd.s32 $0x4E400, s7;
	s14 =	ssub.s32 s8, s10;
	s8 =	sadd.s32 $0x124800, s3  }
0x10: {  	s9 =	sadd.s32 s9, s3;
	p2 =	por !p2, !p2;
	s12 =	sadd.s32 s6, s13  }
.Ltmp0:
0x11: {  	p3 =	por !p4, !p4;
	p6 =	por !p5, !p5;
	(pc) =	sbr.rel .LBB2_1-.Ltmp0, $4  }
0x12: {  	s10 =	sadd.s32 $0x4A00, s11;
	s11 =	sadd.s32 $0x14A00, s11;
	s13 =	sadd.s32 s7, s13  }
0x13: {  	s14 =	smax.u32 s14, $0x1;
	s15 =	sshrl.u32 @p0 s8, $0x3;
	p4 =	por !p6, p3  }
0x14: {  	s17 =	sshrl.u32 @!p0 s9, $0x3;
	s22 =	sshll.u32 @p2 s2, $0x6;
	s24 =	sshll.u32 @!p4 s2, $0x6  }
0x15: {  	s23 =	sshrl.u32 @p2 s9, $0x3;
	s22 =	sor.u32 @p2 $0x1C01, s22;
	s24 =	sor.u32 @!p4 $0x1C01, s24  }
.LBB2_5:
0x16: {  	s26 =	sadd.s32 $0x1, s26  }
0x17: {  	p5 =	sne.s32 s26, s14  }
.Ltmp1:
0x18: {  	_ = 	snop;
	(pc) =	sbr.rel @!p5 .LBB2_6-.Ltmp1, $1  }
0x19: {  	_ =	sdelay $0x3  }
.LBB2_1:
0x1a: {  	s28 =	simm.s32 @p0 $0x1FC1  }
0x1b: {  	[spmem:s15], [sflag:s28] =	dma.local @p0 [hbm:s5], $0x2800  }
0x1c: {  	s28 =	simm.s32 @p0 $0x1  }
0x1d: {  	_ =	swait.ge @p0 [sflag:s28], $0x2800  }
0x1e: {  	[sflag:s28] =	ssyncset.done @p0 $0x0  }
0x1f: {  	[sflag:s28] =	ssyncadd.s32 @p0 $0xFFFFD800;
	s28 =	simm.s32 @!p0 $0x1  }
0x20: {  	[spmem:s17], [sflag:s16] =	dma.local @!p0 [hbm:s5], $0x2700  }
0x21: {  	_ =	swait.ge @!p0 [sflag:s28], $0x2700  }
0x22: {  	[sflag:s28] =	ssyncset.done @!p0 $0x0  }
0x23: {  	[sflag:s28] =	ssyncadd.s32 @!p0 $0xFFFFD900  }
0x24: {  	[bflag:$0x0] =	sbarrier.arrive $0xFFFF  }
0x25: {  	[tilespmem:s4], [sflag:$0x1] =	stream.linear.gather [hbm4b:s10+s4], $0x3E80, $0x38;
	[tilespmem:$0x1E080] =	vst v63  }
0x26: {  	_ =	swait.ge [sflag:s18], $0x3E80  }
0x27: {  	[sflag:s18] =	ssyncset.done $0x0  }
0x28: {  	[sflag:s18] =	ssyncadd.s32 $0xFFFFC180  }
0x29: {  	[tilespmem:s19], [sflag:$0x1] =	stream.linear.gather [hbm4b:s11+s4], $0x3E80, $0x38;
	[tilespmem:$0x1E080] =	vst v63  }
0x2a: {  	_ =	swait.ge [sflag:s18], $0x3E80  }
0x2b: {  	[sflag:s18] =	ssyncset.done $0x0  }
0x2c: {  	s28 =	simm.s32 $0x0;
	[sflag:s18] =	ssyncadd.s32 $0xFFFFC180  }
0x2d: {  	[tilespmem:s21], [sflag:$0x1] =	stream.indirect.gather [hbm4b:s1+s20], $0x80, s28, s20, $0xb8;
	[tilespmem:$0x1E080] =	vst v63  }
0x2e: {  	_ =	swait.ge [sflag:s18], $0x2800  }
0x2f: {  	[sflag:s18] =	ssyncset.done $0x0  }
0x30: {  	s28 =	simm.s32 $0x4000;
	[sflag:s18] =	ssyncadd.s32 $0xFFFFD800  }
0x31: {  	[spmem:s3] =	stream.indirect.scatter.add.f32 [tilespmem:s21], [sflag:$0x1], $0x80, s28, s20, $0xb8;
	[tilespmem:$0x1E080] =	vst v63  }
0x32: {  	_ =	swait.ge [sflag:s18], $0x2800  }
0x33: {  	s29 =	simm.s32 $0x400;
	s28 =	simm.s32 $0x200;
	[sflag:s18] =	ssyncset.done $0x0  }
.LBB2_2:
0x34: {  	s30 =	sshra.s32 s28, $0x2  }
0x35: {  	[sflag:s18] =	ssyncadd.s32 $0xFFFFD800;
	s28 =	smov.u32 s29;
	s31 =	sadd.s32 $0x200, s29  }
0x36: {  	[tilespmem:s21], [sflag:$0x1] =	stream.indirect.gather [hbm4b:s1+s20], $0x80, s30, s20, $0xb8;
	[tilespmem:$0x1E080] =	vst v63  }
0x37: {  	p5 =	sne.s32 s29, $0xF800;
	_ =	swait.ge [sflag:s18], $0x2800  }
.Ltmp2:
0x38: {  	[sflag:s18] =	ssyncset.done $0x0;
	(pc) =	sbr.rel @p5 .LBB2_2-.Ltmp2, $4  }
0x39: {  	s29 =	sadd.s32 $0x4000, s30;
	[sflag:s18] =	ssyncadd.s32 $0xFFFFD800  }
0x3a: {  	[spmem:s3] =	stream.indirect.scatter.add.f32 [tilespmem:s21], [sflag:$0x1], $0x80, s29, s20, $0xb8;
	[tilespmem:$0x1E080] =	vst v63  }
0x3b: {  	_ =	swait.ge [sflag:s18], $0x2800  }
0x3c: {  	s29 =	smov.u32 s31;
	[sflag:s18] =	ssyncset.done $0x0  }
0x3d: {  	s28 =	sshra.s32 s28, $0x2;
	[sflag:s18] =	ssyncadd.s32 $0xFFFFD800  }
0x3e: {  	[tilespmem:s21], [sflag:$0x1] =	stream.indirect.gather [hbm4b:s1+s20], $0x80, s28, s20, $0xb8;
	[tilespmem:$0x1E080] =	vst v63  }
0x3f: {  	_ =	swait.ge [sflag:s18], $0x2800  }
0x40: {  	[sflag:s18] =	ssyncset.done $0x0  }
0x41: {  	s28 =	sadd.s32 $0x4000, s28;
	[sflag:s18] =	ssyncadd.s32 $0xFFFFD800  }
0x42: {  	[spmem:s3] =	stream.indirect.scatter.add.f32 [tilespmem:s21], [sflag:$0x1], $0x80, s28, s20, $0xb8;
	[tilespmem:$0x1E080] =	vst v63  }
0x43: {  	_ =	swait.ge [sflag:s18], $0x2800  }
0x44: {  	[sflag:s18] =	ssyncset.done $0x0  }
0x45: {  	p5 =	por @!p4 $0x1, $0x1;
	p6 =	por p1, p1;
	[sflag:s18] =	ssyncadd.s32 $0xFFFFD800  }
0x46: {  	p6 =	por @!p4 p5, p5;
	s28 =	simm.s32 @p2 $0x1;
	[bflag:$0x0] =	sbarrier.arrive $0xFFFF  }
0x47: {  	[hbm:s12], [sflag:s22] =	dma.local @p2 [spmem:s23], $0x2700  }
0x48: {  	p5 =	por @!p3 !p6, !p0;
	_ =	swait.ge @p2 [sflag:s28], $0x2700  }
0x49: {  	p5 =	por @!p3 !p5, !p5;
	[sflag:s28] =	ssyncset.done @p2 $0x0  }
0x4a: {  	p5 =	por p3, p5;
	[sflag:s28] =	ssyncadd.s32 @p2 $0xFFFFD900;
	s28 =	sshrl.u32 @!p4 s9, $0x3  }
0x4b: {  	[hbm:s13], [sflag:s24] =	dma.local @!p4 [spmem:s28], $0x2700  }
.Ltmp3:
0x4c: {  	_ = 	snop;
	(pc) =	sbr.rel @!p5 .LBB2_5-.Ltmp3, $4  }
0x4d: {  	s28 =	simm.s32 @!p4 $0x1  }
0x4e: {  	_ =	swait.ge @!p4 [sflag:s28], $0x2700  }
0x4f: {  	[sflag:s28] =	ssyncset.done @!p4 $0x0  }
0x50: {  	[sflag:s28] =	ssyncadd.s32 @!p4 $0xFFFFD900  }
0x51: {  	s28 =	smov.u32 s7  }
0x52: {  	s28 =	smov.u32 @p3 s6  }
.Ltmp4:
0x53: {  	s29 =	sshrl.u32 s8, $0x3;
	s28 =	sadd.s32 $0x24900, s28;
	(pc) =	sbr.rel .LBB2_5-.Ltmp4, $4  }
0x54: {  	[hbm:s28], [sflag:s25] =	dma.local [spmem:s29], $0x2800  }
0x55: {  	_ =	swait.ge [sflag:s18], $0x2800  }
0x56: {  	[sflag:s18] =	ssyncset.done $0x0  }
0x57: {  	[sflag:s18] =	ssyncadd.s32 $0xFFFFD800  }
.LBB2_6:
0x58: {  	_ =	sfence.sel $0x180000  }
0x59: {  	[bflag:$0x0] =	sbarrier.arrive $0xFFFF  }
0x5a: {  	p0 =	sne.s32 s2, $0x0;
	_ =	strace $0x9000004A  }
0x5b: {  	s0 =	sadd.s32 @!p0 $0x100000, s0;
	[bflag:$0x2] =	sbarrier.arrive $0xFFFF  }
0x5c: {  	[sflag:s0] =	ssyncadd.tile.s32 @!p0 $0x1;
	_ =	shalt  }
.Lfunc_end2:
_tile_overlayer_lowered:
.L_overlay_start_2:
0x5d: {  	(tag) =	ssettag $0x2  }
0x5e: {  	s0 =	rddreg [dreg:$0x0];
	s2 =	stileid.u32  }
0x5f: {  	s1 =	rddreg [dreg:$0x1];
	p0 =	sne.s32 s2, $0x0  }
0x60: {  	s3 =	rddreg [dreg:$0x2];
	[bflag:$0x3] =	sbarrier.arrive $0xFFFF;
	s2 =	simm.s32 @!p0 $0x1C01  }
0x61: {  	[timem:s3], [sflag:s2] =	dma.local @!p0 [hbm:s0], s1  }
0x62: {  	s0 =	simm.s32 @!p0 $0x1  }
0x63: {  	_ =	swait.ge @!p0 [sflag:s0], s1  }
0x64: {  	s1 =	ssub.s32 @!p0 $0x0, s1;
	[sflag:s0] =	ssyncset.done @!p0 $0x0  }
0x65: {  	[sflag:s0] =	ssyncadd.s32 @!p0 s1  }
0x66: {  	[bflag:$0x3] =	sbarrier.arrive $0xFFFF  }
0x67: {  	_ =	shalt  }

// kernel: kernel.16.cloned.1.call-start
scs
__scs_entry_jumppad:
0x0: {  	(pc) =	sbr.rel $0x88, $3  }
0x1: {  	(tag) =	ssettag $0x0;
	lr =	simm.s32 $0x1  }
0x2: {  	[smem:$0x3F90] =	sst lr;
	_ =	strace $0xD0000000  }
0x3: {  	_ = 	snop  }
0x4: {  	_ = 	snop  }
0x5: {  	_ = 	snop  }
0x6: {  	_ = 	snop  }
0x7: {  	_ = 	snop  }
__scs_overlays_trampoline_lowered:
0x8: {  	[smem:$0x3F9F] =	sst s0  }
0x9: {  	[smem:$0x3FA0] =	sst s1  }
0xa: {  	[smem:$0x3FA1] =	sst s2  }
0xb: {  	[smem:$0x3FA2] =	sst s3  }
0xc: {  	[smem:$0x3FA3] =	sst s4  }
0xd: {  	[smem:$0x3FA4] =	sst s5  }
0xe: {  	[smem:$0x3FA5] =	sst s6  }
0xf: {  	[smem:$0x3FA6] =	sst s7  }
0x10: {  	[smem:$0x3FA7] =	sst s8  }
0x11: {  	[smem:$0x3FA8] =	sst s9;
	s0 =	simm.s32 @!p0 $0x0  }
0x12: {  	s1 =	sld [smem:$0x3F8E];
	s0 =	simm.s32 @p0 $0x1  }
0x13: {  	[smem:$0x3FA9] =	sst s0;
	s0 =	simm.s32 @!p1 $0x0  }
0x14: {  	s2 =	sld [smem:$0x3F8D];
	s0 =	simm.s32 @p1 $0x1  }
0x15: {  	[smem:$0x3FAA] =	sst s0;
	s0 =	simm.s32 @!p2 $0x0  }
0x16: {  	s3 =	sld [smem:$0x3FDB];
	s0 =	simm.s32 @p2 $0x1  }
0x17: {  	s4 =	simm.s32 $0x1BF5;
	[smem:$0x3FAC] =	sst s0  }
0x18: {  	s0 =	sld [smem:$0x3F8F];
	_ =	swait.ge [sflag:s4], $0x0  }
0x19: {  	s7 =	sld [smem:$0x3F90]  }
0x1a: {  	s8 =	sadd.s32 $0xFFFFE003, lr  }
0x1b: {  	s9 =	sadd.s32 $0xFFFFFEF7, lr;
	s5 =	simm.s32 $0xFFFFFFFF;
	p2 =	slt.u32 s8, $0xFFFFF086  }
0x1c: {  	p1 =	slt.u32 s9, $0xF7A;
	s5 =	simm.s32 @!p2 $0x0  }
0x1d: {  	s5 =	simm.s32 @p1 $0x1;
	p0 =	seq.s32 s7, s2  }
0x1e: {  	s7 =	smul.u32 @!p0 $0xF7A, s2;
	p2 =	seq.s32 @!p0 s5, $0x0  }
0x1f: {  	s9 =	smul.u32 $0xF7A, s1;
	s8 =	simm.s32 @!p0 $0x1BF5;
	p2 =	por !p2, p0  }
0x20: {  	[sflag:s8] =	ssyncset.s32 @!p0 $0xFFFFF086;
	s6 =	sadd.s32 @!p0 s3, s7;
	s7 =	simm.s32 @!p0 $0x108  }
0x21: {  	s3 =	sadd.s32 s3, s9;
	s6 =	sadd.s32 @!p0 $0x88, s6;
	s7 =	simm.s32 @p2 $0x1082  }
0x22: {  	[simem:s7], [sflag:s8] =	dma.local @!p0 [hbm:s6], $0xF7A  }
0x23: {  	s9 =	sor.u32 $0xD0000000, s2;
	s6 =	simm.s32 $0x108;
	_ =	swait.ge @!p0 [sflag:s8], $0x0  }
0x24: {  	s3 =	sadd.s32 $0x88, s3;
	s6 =	simm.s32 @!p1 $0x1082;
	[sflag:s4] =	ssyncset.s32 $0xFFFFF086  }
0x25: {  	[simem:s6], [sflag:s4] =	dma.local [hbm:s3], $0xF7A  }
0x26: {  	[smem:$0x3F90] =	sst s1;
	(tag) =	ssettag s2;
	_ =	strace s9  }
0x27: {  	s1 =	sld [smem:$0x3FA0]  }
0x28: {  	s2 =	sld [smem:$0x3FA1]  }
0x29: {  	s4 =	sld [smem:$0x3FA3]  }
0x2a: {  	p0 =	seq.s32 s5, $0x0;
	s5 =	sld [smem:$0x3FA4]  }
0x2b: {  	s6 =	sld [smem:$0x3FA5]  }
0x2c: {  	s7 =	sld [smem:$0x3FA6]  }
0x2d: {  	s3 =	simm.s32 $0x108;
	s8 =	sld [smem:$0x3FA7]  }
0x2e: {  	s3 =	simm.s32 @!p0 $0x1082;
	s9 =	sld [smem:$0x3FA8]  }
0x2f: {  	lr =	sadd.s32 s0, s3;
	s0 =	sld [smem:$0x3F9F]  }
0x30: {  	s3 =	sld [smem:$0x3FA2]  }
0x31: {  	[smem:$0x3FAB] =	sst s10  }
0x32: {  	s10 =	sld [smem:$0x3FA9];
	_ =	sdelay $0x3  }
0x33: {  	p0 =	seq.s32 s10, $0x1;
	s10 =	sld [smem:$0x3FAB];
	_ =	sdelay $0x3  }
0x34: {  	[smem:$0x3FAB] =	sst s10  }
0x35: {  	s10 =	sld [smem:$0x3FAA];
	_ =	sdelay $0x3  }
0x36: {  	p1 =	seq.s32 s10, $0x1;
	s10 =	sld [smem:$0x3FAB];
	_ =	sdelay $0x3  }
0x37: {  	[smem:$0x3FAB] =	sst s10  }
0x38: {  	s10 =	sld [smem:$0x3FAC]  }
0x39: {  	_ = 	snop;
	(pc) =	sbr.ind lr, $3  }
0x3a: {  	_ = 	snop  }
0x3b: {  	_ = 	snop  }
0x3c: {  	p2 =	seq.s32 s10, $0x1;
	s10 =	sld [smem:$0x3FAB]  }
0x3d: {  	_ =	shalt  }
0x3e: {  	_ =	shalt  }
0x3f: {  	_ =	shalt  }
0x40: {  	_ =	shalt  }
0x41: {  	_ =	shalt  }
0x42: {  	_ =	shalt  }
0x43: {  	_ =	shalt  }
0x44: {  	_ =	shalt  }
0x45: {  	_ =	shalt  }
0x46: {  	_ =	shalt  }
0x47: {  	_ =	shalt  }
0x48: {  	_ =	shalt  }
0x49: {  	_ =	shalt  }
0x4a: {  	_ =	shalt  }
0x4b: {  	_ =	shalt  }
0x4c: {  	_ =	shalt  }
0x4d: {  	_ =	shalt  }
0x4e: {  	_ =	shalt  }
0x4f: {  	_ =	shalt  }
0x50: {  	_ =	shalt  }
0x51: {  	_ =	shalt  }
0x52: {  	_ =	shalt  }
0x53: {  	_ =	shalt  }
0x54: {  	_ =	shalt  }
0x55: {  	_ =	shalt  }
0x56: {  	_ =	shalt  }
0x57: {  	_ =	shalt  }
0x58: {  	_ =	shalt  }
0x59: {  	_ =	shalt  }
0x5a: {  	_ =	shalt  }
0x5b: {  	_ =	shalt  }
0x5c: {  	_ =	shalt  }
0x5d: {  	_ =	shalt  }
0x5e: {  	_ =	shalt  }
0x5f: {  	_ =	shalt  }
0x60: {  	_ =	shalt  }
0x61: {  	_ =	shalt  }
0x62: {  	_ =	shalt  }
0x63: {  	_ =	shalt  }
0x64: {  	_ =	shalt  }
0x65: {  	_ =	shalt  }
0x66: {  	_ =	shalt  }
0x67: {  	_ =	shalt  }
0x68: {  	_ =	shalt  }
0x69: {  	_ =	shalt  }
0x6a: {  	_ =	shalt  }
0x6b: {  	_ =	shalt  }
0x6c: {  	_ =	shalt  }
0x6d: {  	_ =	shalt  }
0x6e: {  	_ =	shalt  }
0x6f: {  	_ =	shalt  }
0x70: {  	_ =	shalt  }
0x71: {  	_ =	shalt  }
0x72: {  	_ =	shalt  }
0x73: {  	_ =	shalt  }
0x74: {  	_ =	shalt  }
0x75: {  	_ =	shalt  }
0x76: {  	_ =	shalt  }
0x77: {  	_ =	shalt  }
0x78: {  	_ =	shalt  }
0x79: {  	_ =	shalt  }
0x7a: {  	_ =	shalt  }
0x7b: {  	_ =	shalt  }
0x7c: {  	_ =	shalt  }
0x7d: {  	_ =	shalt  }
0x7e: {  	_ =	shalt  }
0x7f: {  	_ =	shalt  }
0x80: {  	_ =	shalt  }
0x81: {  	_ =	shalt  }
0x82: {  	_ =	shalt  }
0x83: {  	_ =	shalt  }
0x84: {  	_ =	shalt  }
0x85: {  	_ =	shalt  }
0x86: {  	_ =	shalt  }
0x87: {  	_ =	shalt  }
.Lfunc_end0:
.L_simem_size_0:
called_computation.2_lowered:
.L_overlay_start_0:
0x88: {  	s2 =	sld [smem:$0x3FD9]  }
0x89: {  	s3 =	sld [smem:$0x3FFE];
	_ =	sdelay $0x1  }
0x8a: {  	s1 =	srdreg.scid  }
0x8b: {  	s0 =	sand.u32 $0x1, s1  }
0x8c: {  	s14 =	sshll.u32 s0, $0xA;
	s2 =	sadd.s32 s3, s2  }
0x8d: {  	s2 =	sadd.s32 s2, s14  }
0x8e: {  	[smem:$0x3FB7] =	sst s2  }
0x8f: {  	_ = 	snop  }
0x90: {  	s2 =	sld [smem:$0x3FD0];
	_ =	sdelay $0x2  }
0x91: {  	s15 =	simm.s32 $0xA;
	s4 =	simm.s32 $0x10  }
0x92: {  	[smem:s4], [sflag:s15] =	dma.local [hbm:s2], $0x1  }
0x93: {  	_ =	swait.eq [sflag:s15], $0x1  }
0x94: {  	[sflag:s15] =	ssyncset.done $0x0  }
0x95: {  	[sflag:s15] =	ssyncadd.s32 $0xFFFFFFFF  }
0x96: {  	s16 =	sld [smem:$0x11];
	(tm) =	ssettm $0x1  }
0x97: {  	s17 =	sld [smem:$0x3FFB];
	_ =	sdelay $0x3  }
0x98: {  	_ =	strace s17  }
0x99: {  	s3 =	sld [smem:$0x3FFC];
	_ =	sdelay $0x3  }
0x9a: {  	_ =	strace s3  }
0x9b: {  	s3 =	sld [smem:$0x3FFD];
	_ =	sdelay $0x3  }
0x9c: {  	_ =	strace s3  }
0x9d: {  	_ =	strace $0x8FFFFFFF  }
0x9e: {  	s18 =	sld [smem:$0x3FDB];
	_ =	sdelay $0x1  }
0x9f: {  	s19 =	simm.s32 $_scs_section_size  }
0xa0: {  	s5 =	simm.s32 $_size__tile_overlayer_lowered;
	s6 =	simm.s32 $_tile_overlayer_lowered  }
0xa1: {  	s22 =	simm.s32 $0x1BFF;
	s21 =	sshll.u32 s6, $0x1;
	s3 =	sadd.s32 s19, s18  }
0xa2: {  	s7 =	simm.s32 $0x0;
	s20 =	sshll.u32 s5, $0x1;
	s5 =	sadd.s32 s21, s3  }
0xa3: {  	[timem:s7], [sflag:s22] =	dma.local [hbm:s5], s20  }
0xa4: {  	_ =	swait.ge [sflag:s22], s20  }
0xa5: {  	s4 =	ssub.s32 $0x0, s20;
	[sflag:s22] =	ssyncset.done $0x0  }
0xa6: {  	[sflag:s22] =	ssyncadd.s32 s4;
	_ =	sdelay $0x1  }
0xa7: {  	s23 =	simm.s32 $0x1B8B  }
0xa8: {  	_ =	swait.ge [sflag:s23], $0x1  }
0xa9: {  	[sflag:s23] =	ssyncset.done $0x0  }
0xaa: {  	s25 =	simm.s32 $0x1B8E;
	s24 =	sld [smem:$0x3FFE];
	[sflag:s23] =	ssyncadd.s32 $0xFFFFFFFF  }
0xab: {  	s26 =	simm.s32 $execute0_lowered;
	[smem:$0x3FD2] =	sst s25  }
0xac: {  	s5 =	sshll.u32 s26, $0x1;
	_ =	strace $0x8000004C;
	[dreg:$0x1] =	wrdreg $0xFFFFFFFF  }
0xad: {  	s28 =	simm.s32 $_size_execute0_lowered;
	s3 =	sadd.s32 s3, s5;
	[dreg:$0x0] =	wrdreg $0x0  }
0xae: {  	s5 =	sshll.u32 s28, $0x1;
	[dreg:$0x2] =	wrdreg s3  }
0xaf: {  	[dreg:$0x3] =	wrdreg s5  }
0xb0: {  	[dreg:$0x4] =	wrdreg $0xC0  }
0xb1: {  	_ =	task [dreg:s7], $0x5FFFF  }
0xb2: {  	[dreg:$0x1] =	wrdreg $0xFFFFFFFF  }
0xb3: {  	[dreg:$0x0] =	wrdreg $0x60  }
0xb4: {  	[dreg:$0x2] =	wrdreg s16  }
0xb5: {  	[dreg:$0x3] =	wrdreg s24  }
0xb6: {  	[dreg:$0x4] =	wrdreg $0xA8000  }
0xb7: {  	[dreg:$0x5] =	wrdreg $0x9  }
0xb8: {  	_ =	task.clear_ibuf [dreg:s7], $0x6FFFF;
	_ =	strace $0x9000004C  }
0xb9: {  	s29 =	simm.s32 $0x9;
	_ =	strace $0x8000004E  }
0xba: {  	_ =	swait.ge [sflag:s29], $0x1  }
0xbb: {  	[sflag:s29] =	ssyncadd.s32 $0xFFFFFFFF  }
0xbc: {  	_ =	strace $0x9000004E  }
0xbd: {  	_ =	sfence  }
0xbe: {  	s30 =	sld [smem:$0x0];
	_ =	sdelay $0x2  }
0xbf: {  	s31 =	sshll.u32 s1, $0xD;
	s1 =	sshrl.u32 s1, $0x2  }
0xc0: {  	s3 =	sand.u32 $0x4000, s31;
	s1 =	sadd.s32 s1, s30  }
0xc1: {  	s0 =	sor.u32 s3, s0;
	s1 =	sshll.u32 s1, $0x11  }
0xc2: {  	s0 =	sor.u32 s1, s0  }
0xc3: {  	s0 =	sadd.s32 $0x8F2B, s0  }
0xc4: {  	[sflag:s0] =	ssyncadd.remote.s32 $0x1  }
0xc5: {  	_ =	sfence.sel $0xFFFF  }
0xc6: {  	[dreg:$0x0] =	wrdreg $0xFFFFFFFF;
	(pc) =	sbr.abs _section_cstart, $3  }
0xc7: {  	[dreg:$0x1] =	wrdreg $0xFFFFFFFF  }
0xc8: {  	_ =	task.clear_ibuf [dreg:s7], $0x2FFFF;
	_ =	strace $0x9FFFFFFF  }
0xc9: {  	(tm) =	ssettm $0x7FFFFFFF  }
tec
execute0_lowered:
.L_overlay_start_1:
0x0: {  	(tag) =	ssettag $0x1  }
0x1: {  	s1 =	rddreg [dreg:$0x0]  }
0x2: {  	s7 =	rddreg [dreg:$0x1]  }
0x3: {  	s3 =	rddreg [dreg:$0x2];
	s4 =	srdreg.scid  }
0x4: {  	s0 =	rddreg [dreg:$0x3];
	s2 =	stileid.u32  }
0x5: {  	s18 =	simm.s32 $0x1;
	s19 =	simm.s32 $0x4000;
	s20 =	simm.s32 $0x50  }
0x6: {  	s21 =	simm.s32 $0x8000;
	s25 =	simm.s32 $0x1FC1;
	s26 =	simm.s32 $0x0  }
0x7: {  	s12 =	sand.u32 $0x1, s4;
	s4 =	simm.s32 $0x0;
	s6 =	sshll.u32 s2, $0xB  }
0x8: {  	s9 =	smul.u32 $0x4E000, s2;
	p0 =	seq.s32 s2, $0xF;
	p3 =	sne.s32 s2, $0xF  }
0x9: {  	s13 =	smul.u32 $0x2700, s2;
	s5 =	sshll.u32 s12, $0xF;
	[smem:$0x7FF] =	sst s4  }
0xa: {  	s8 =	ssub.s32 $0x2, s12;
	p4 =	seq.s32 s12, $0x0;
	p1 =	seq.s32 s12, $0x1  }
0xb: {  	s16 =	sshll.u32 @!p0 s2, $0x6;
	s5 =	sor.u32 s6, s5;
	_ =	strace $0x8000004D  }
0xc: {  	s6 =	sadd.s32 $0x27200, s7;
	s10 =	sshrl.u32 s8, $0x1;
	s9 =	sshrl.u32 s9, $0x2  }
0xd: {  	p2 =	por !p4, !p3;
	p4 =	por !p4, !p0;
	p5 =	por !p3, !p1  }
0xe: {  	s16 =	sor.u32 @!p0 $0x1C01, s16;
	s11 =	sadd.s32 s5, s7;
	s5 =	sadd.s32 $0x24A00, s7  }
0xf: {  	s7 =	sadd.s32 $0x4E400, s7;
	s14 =	ssub.s32 s8, s10;
	s8 =	sadd.s32 $0x124800, s3  }
0x10: {  	s9 =	sadd.s32 s9, s3;
	p2 =	por !p2, !p2;
	s12 =	sadd.s32 s6, s13  }
.Ltmp0:
0x11: {  	p3 =	por !p4, !p4;
	p6 =	por !p5, !p5;
	(pc) =	sbr.rel .LBB2_1-.Ltmp0, $4  }
0x12: {  	s10 =	sadd.s32 $0x4A00, s11;
	s11 =	sadd.s32 $0x14A00, s11;
	s13 =	sadd.s32 s7, s13  }
0x13: {  	s14 =	smax.u32 s14, $0x1;
	s15 =	sshrl.u32 @p0 s8, $0x3;
	p4 =	por !p6, p3  }
0x14: {  	s17 =	sshrl.u32 @!p0 s9, $0x3;
	s22 =	sshll.u32 @p2 s2, $0x6;
	s24 =	sshll.u32 @!p4 s2, $0x6  }
0x15: {  	s23 =	sshrl.u32 @p2 s9, $0x3;
	s22 =	sor.u32 @p2 $0x1C01, s22;
	s24 =	sor.u32 @!p4 $0x1C01, s24  }
.LBB2_5:
0x16: {  	s26 =	sadd.s32 $0x1, s26  }
0x17: {  	p5 =	sne.s32 s26, s14  }
.Ltmp1:
0x18: {  	_ = 	snop;
	(pc) =	sbr.rel @!p5 .LBB2_6-.Ltmp1, $1  }
0x19: {  	_ =	sdelay $0x3  }
.LBB2_1:
0x1a: {  	s28 =	simm.s32 @p0 $0x1FC1  }
0x1b: {  	[spmem:s15], [sflag:s28] =	dma.local @p0 [hbm:s5], $0x2800  }
0x1c: {  	s28 =	simm.s32 @p0 $0x1  }
0x1d: {  	_ =	swait.ge @p0 [sflag:s28], $0x2800  }
0x1e: {  	[sflag:s28] =	ssyncset.done @p0 $0x0  }
0x1f: {  	[sflag:s28] =	ssyncadd.s32 @p0 $0xFFFFD800;
	s28 =	simm.s32 @!p0 $0x1  }
0x20: {  	[spmem:s17], [sflag:s16] =	dma.local @!p0 [hbm:s5], $0x2700  }
0x21: {  	_ =	swait.ge @!p0 [sflag:s28], $0x2700  }
0x22: {  	[sflag:s28] =	ssyncset.done @!p0 $0x0  }
0x23: {  	[sflag:s28] =	ssyncadd.s32 @!p0 $0xFFFFD900  }
0x24: {  	[bflag:$0x0] =	sbarrier.arrive $0xFFFF  }
0x25: {  	[tilespmem:s4], [sflag:$0x1] =	stream.linear.gather [hbm4b:s10+s4], $0x3E80, $0x38;
	[tilespmem:$0x1E080] =	vst v63  }
0x26: {  	_ =	swait.ge [sflag:s18], $0x3E80  }
0x27: {  	[sflag:s18] =	ssyncset.done $0x0  }
0x28: {  	[sflag:s18] =	ssyncadd.s32 $0xFFFFC180  }
0x29: {  	[tilespmem:s19], [sflag:$0x1] =	stream.linear.gather [hbm4b:s11+s4], $0x3E80, $0x38;
	[tilespmem:$0x1E080] =	vst v63  }
0x2a: {  	_ =	swait.ge [sflag:s18], $0x3E80  }
0x2b: {  	[sflag:s18] =	ssyncset.done $0x0  }
0x2c: {  	s28 =	simm.s32 $0x0;
	[sflag:s18] =	ssyncadd.s32 $0xFFFFC180  }
0x2d: {  	[tilespmem:s21], [sflag:$0x1] =	stream.indirect.gather [hbm4b:s1+s20], $0x80, s28, s20, $0xb8;
	[tilespmem:$0x1E080] =	vst v63  }
0x2e: {  	_ =	swait.ge [sflag:s18], $0x2800  }
0x2f: {  	[sflag:s18] =	ssyncset.done $0x0  }
0x30: {  	s28 =	simm.s32 $0x4000;
	[sflag:s18] =	ssyncadd.s32 $0xFFFFD800  }
0x31: {  	[spmem:s3] =	stream.indirect.scatter.add.f32 [tilespmem:s21], [sflag:$0x1], $0x80, s28, s20, $0xb8;
	[tilespmem:$0x1E080] =	vst v63  }
0x32: {  	_ =	swait.ge [sflag:s18], $0x2800  }
0x33: {  	s29 =	simm.s32 $0x400;
	s28 =	simm.s32 $0x200;
	[sflag:s18] =	ssyncset.done $0x0  }
.LBB2_2:
0x34: {  	s30 =	sshra.s32 s28, $0x2  }
0x35: {  	[sflag:s18] =	ssyncadd.s32 $0xFFFFD800;
	s28 =	smov.u32 s29;
	s31 =	sadd.s32 $0x200, s29  }
0x36: {  	[tilespmem:s21], [sflag:$0x1] =	stream.indirect.gather [hbm4b:s1+s20], $0x80, s30, s20, $0xb8;
	[tilespmem:$0x1E080] =	vst v63  }
0x37: {  	p5 =	sne.s32 s29, $0xF800;
	_ =	swait.ge [sflag:s18], $0x2800  }
.Ltmp2:
0x38: {  	[sflag:s18] =	ssyncset.done $0x0;
	(pc) =	sbr.rel @p5 .LBB2_2-.Ltmp2, $4  }
0x39: {  	s29 =	sadd.s32 $0x4000, s30;
	[sflag:s18] =	ssyncadd.s32 $0xFFFFD800  }
0x3a: {  	[spmem:s3] =	stream.indirect.scatter.add.f32 [tilespmem:s21], [sflag:$0x1], $0x80, s29, s20, $0xb8;
	[tilespmem:$0x1E080] =	vst v63  }
0x3b: {  	_ =	swait.ge [sflag:s18], $0x2800  }
0x3c: {  	s29 =	smov.u32 s31;
	[sflag:s18] =	ssyncset.done $0x0  }
0x3d: {  	s28 =	sshra.s32 s28, $0x2;
	[sflag:s18] =	ssyncadd.s32 $0xFFFFD800  }
0x3e: {  	[tilespmem:s21], [sflag:$0x1] =	stream.indirect.gather [hbm4b:s1+s20], $0x80, s28, s20, $0xb8;
	[tilespmem:$0x1E080] =	vst v63  }
0x3f: {  	_ =	swait.ge [sflag:s18], $0x2800  }
0x40: {  	[sflag:s18] =	ssyncset.done $0x0  }
0x41: {  	s28 =	sadd.s32 $0x4000, s28;
	[sflag:s18] =	ssyncadd.s32 $0xFFFFD800  }
0x42: {  	[spmem:s3] =	stream.indirect.scatter.add.f32 [tilespmem:s21], [sflag:$0x1], $0x80, s28, s20, $0xb8;
	[tilespmem:$0x1E080] =	vst v63  }
0x43: {  	_ =	swait.ge [sflag:s18], $0x2800  }
0x44: {  	[sflag:s18] =	ssyncset.done $0x0  }
0x45: {  	p5 =	por @!p4 $0x1, $0x1;
	p6 =	por p1, p1;
	[sflag:s18] =	ssyncadd.s32 $0xFFFFD800  }
0x46: {  	p6 =	por @!p4 p5, p5;
	s28 =	simm.s32 @p2 $0x1;
	[bflag:$0x0] =	sbarrier.arrive $0xFFFF  }
0x47: {  	[hbm:s12], [sflag:s22] =	dma.local @p2 [spmem:s23], $0x2700  }
0x48: {  	p5 =	por @!p3 !p6, !p0;
	_ =	swait.ge @p2 [sflag:s28], $0x2700  }
0x49: {  	p5 =	por @!p3 !p5, !p5;
	[sflag:s28] =	ssyncset.done @p2 $0x0  }
0x4a: {  	p5 =	por p3, p5;
	[sflag:s28] =	ssyncadd.s32 @p2 $0xFFFFD900;
	s28 =	sshrl.u32 @!p4 s9, $0x3  }
0x4b: {  	[hbm:s13], [sflag:s24] =	dma.local @!p4 [spmem:s28], $0x2700  }
.Ltmp3:
0x4c: {  	_ = 	snop;
	(pc) =	sbr.rel @!p5 .LBB2_5-.Ltmp3, $4  }
0x4d: {  	s28 =	simm.s32 @!p4 $0x1  }
0x4e: {  	_ =	swait.ge @!p4 [sflag:s28], $0x2700  }
0x4f: {  	[sflag:s28] =	ssyncset.done @!p4 $0x0  }
0x50: {  	[sflag:s28] =	ssyncadd.s32 @!p4 $0xFFFFD900  }
0x51: {  	s28 =	smov.u32 s7  }
0x52: {  	s28 =	smov.u32 @p3 s6  }
.Ltmp4:
0x53: {  	s29 =	sshrl.u32 s8, $0x3;
	s28 =	sadd.s32 $0x24900, s28;
	(pc) =	sbr.rel .LBB2_5-.Ltmp4, $4  }
0x54: {  	[hbm:s28], [sflag:s25] =	dma.local [spmem:s29], $0x2800  }
0x55: {  	_ =	swait.ge [sflag:s18], $0x2800  }
0x56: {  	[sflag:s18] =	ssyncset.done $0x0  }
0x57: {  	[sflag:s18] =	ssyncadd.s32 $0xFFFFD800  }
.LBB2_6:
0x58: {  	_ =	sfence.sel $0x180000  }
0x59: {  	[bflag:$0x0] =	sbarrier.arrive $0xFFFF  }
0x5a: {  	p0 =	sne.s32 s2, $0x0;
	_ =	strace $0x9000004D  }
0x5b: {  	s0 =	sadd.s32 @!p0 $0x100000, s0;
	[bflag:$0x2] =	sbarrier.arrive $0xFFFF  }
0x5c: {  	[sflag:s0] =	ssyncadd.tile.s32 @!p0 $0x1;
	_ =	shalt  }
.Lfunc_end2:
_tile_overlayer_lowered:
.L_overlay_start_2:
0x5d: {  	(tag) =	ssettag $0x2  }
0x5e: {  	s0 =	rddreg [dreg:$0x0];
	s2 =	stileid.u32  }
0x5f: {  	s1 =	rddreg [dreg:$0x1];
	p0 =	sne.s32 s2, $0x0  }
0x60: {  	s3 =	rddreg [dreg:$0x2];
	[bflag:$0x3] =	sbarrier.arrive $0xFFFF;
	s2 =	simm.s32 @!p0 $0x1C01  }
0x61: {  	[timem:s3], [sflag:s2] =	dma.local @!p0 [hbm:s0], s1  }
0x62: {  	s0 =	simm.s32 @!p0 $0x1  }
0x63: {  	_ =	swait.ge @!p0 [sflag:s0], s1  }
0x64: {  	s1 =	ssub.s32 @!p0 $0x0, s1;
	[sflag:s0] =	ssyncset.done @!p0 $0x0  }
0x65: {  	[sflag:s0] =	ssyncadd.s32 @!p0 s1  }
0x66: {  	[bflag:$0x3] =	sbarrier.arrive $0xFFFF  }
0x67: {  	_ =	shalt  }

</sc_bundles>
